<compile_context>
chip_gen: v7x
topology: tpu7x:2x2x1
jax: 0.10.2.dev20260603
libtpu: 0.0.44.dev20260713+nightly
codegen_flags: <defaults>
</compile_context>

<pallas_src>
import jax
import jax.numpy as jnp
from jax import lax
from jax.experimental import pallas as pl
from jax.experimental.pallas import tpu as pltpu
from jax.experimental.pallas import tpu_sc as plsc

NUM_EMB = 1000000
DIM = 32
BATCH = 16384
HIST = 50
HDIM = DIM // 2

_info = plsc.get_sparse_core_info()
NC, NS = _info.num_cores, _info.num_subcores
BW = 512
NPASS = BATCH // (NS * BW)
CH = 1000
NCHT = 62
DO_TRANSPOSE_A = False


def _body(tt_hbm, xt_hbm, out_hbm, half_hbm, idx_all,
          rows0, rows1, tb0, tb1, a0, a1, b0, b1,
          gsem0, gsem1, osem0, osem1, asem0, asem1, bsem0, bsem1):
    c = lax.axis_index("c")
    s = lax.axis_index("s")
    lanes = lax.iota(jnp.int32, 16)
    half_c = half_hbm.at[c]

    def fire_a(m, a, sem):
        pltpu.async_copy(
            tt_hbm.at[pl.ds(c * HDIM, HDIM), pl.ds(m * CH, CH)],
            a.at[:, pl.ds(0, CH)], sem)

    def drain_a(a, sem):
        pltpu.make_async_copy(
            tt_hbm.at[pl.ds(0, HDIM), pl.ds(0, CH)],
            a.at[:, pl.ds(0, CH)], sem).wait()

    def transpose_a(a, b):
        if not DO_TRANSPOSE_A:
            return
        @plsc.parallel_loop(0, CH, unroll=4)
        def tra(j):
            jsplat = jnp.full((16,), 0, jnp.int32) + j
            b[j, pl.ds(0, HDIM)] = plsc.load_gather(a, [lanes, jsplat])

    def fire_b(m, b, sem):
        pltpu.async_copy(b, half_c.at[pl.ds(m * CH, CH)], sem)

    def wait_b(b, sem):
        pltpu.make_async_copy(b, half_c.at[pl.ds(0, CH)], sem).wait()

    fire_a(s, a0, asem0)

    def stepa(i, _):
        ma = s + 32 * i
        fire_a(ma + 16, a1, asem1)
        drain_a(a0, asem0)

        @pl.when(i > 0)
        def _():
            wait_b(b0, bsem0)
        transpose_a(a0, b0)
        fire_b(ma, b0, bsem0)

        @pl.when(i < NCHT // 2 - 1)
        def _():
            fire_a(ma + 32, a0, asem0)
        drain_a(a1, asem1)

        @pl.when(i > 0)
        def _():
            wait_b(b1, bsem1)
        transpose_a(a1, b1)
        fire_b(ma + 16, b1, bsem1)
        return ()

    lax.fori_loop(0, NCHT // 2, stepa, ())

    @pl.when(s < 8)
    def _():
        m = 992 + s
        fire_a(m, a0, asem0)
        drain_a(a0, asem0)
        wait_b(b0, bsem0)
        transpose_a(a0, b0)
        fire_b(m, b0, bsem0)

    wait_b(b0, bsem0)
    wait_b(b1, bsem1)
    plsc.subcore_barrier()

    def phase_b(bbase):
        pltpu.sync_copy(xt_hbm.at[:, pl.ds(bbase, BW)], idx_all)

        def fire(l, rows, sem):
            pltpu.async_copy(half_c.at[idx_all.at[l]], rows, sem)

        def drain(rows, sem):
            pltpu.make_async_copy(
                half_c.at[idx_all.at[0]], rows, sem).wait()

        def transpose(rows, tb):
            @plsc.parallel_loop(0, BW, unroll=8)
            def tr(j):
                jsplat = jnp.full((16,), 0, jnp.int32) + j
                plsc.store_scatter(
                    tb, [lanes, jsplat], rows[j, pl.ds(0, HDIM)])

        def out_slice(l):
            return out_hbm.at[l].at[pl.ds(c * HDIM, HDIM), pl.ds(bbase, BW)]

        def wait_out(tb, sem):
            pltpu.make_async_copy(
                tb.at[:, pl.ds(0, BW)], out_slice(0), sem).wait()

        fire(0, rows0, gsem0)

        def step(i, _):
            l = 2 * i

            @pl.when(i > 0)
            def _():
                wait_out(tb0, osem0)
            fire(l + 1, rows1, gsem1)
            drain(rows0, gsem0)
            transpose(rows0, tb0)
            pltpu.async_copy(tb0.at[:, pl.ds(0, BW)], out_slice(l), osem0)

            @pl.when(i > 0)
            def _():
                wait_out(tb1, osem1)
            @pl.when(i < HIST // 2 - 1)
            def _():
                fire(l + 2, rows0, gsem0)
            drain(rows1, gsem1)
            transpose(rows1, tb1)
            pltpu.async_copy(tb1.at[:, pl.ds(0, BW)], out_slice(l + 1), osem1)
            return ()

        lax.fori_loop(0, HIST // 2, step, ())
        wait_out(tb0, osem0)
        wait_out(tb1, osem1)

    for p in range(NPASS):
        phase_b(p * (NS * BW) + s * BW)


@jax.jit
def _gather_t(tt, xt):
    mesh = plsc.VectorSubcoreMesh(core_axis_name="c", subcore_axis_name="s")
    return pl.kernel(
        _body,
        out_type=(
            jax.ShapeDtypeStruct((HIST, DIM, BATCH), jnp.float32),
            jax.ShapeDtypeStruct((NC, NUM_EMB, HDIM), jnp.float32),
        ),
        mesh=mesh,
        scratch_types=[
            pltpu.VMEM((HIST, BW), jnp.int32),
            pltpu.VMEM((BW, HDIM), jnp.float32),
            pltpu.VMEM((BW, HDIM), jnp.float32),
            pltpu.VMEM((HDIM, BW + 1), jnp.float32),
            pltpu.VMEM((HDIM, BW + 1), jnp.float32),
            pltpu.VMEM((HDIM, CH + 7), jnp.float32),
            pltpu.VMEM((HDIM, CH + 7), jnp.float32),
            pltpu.VMEM((CH, HDIM), jnp.float32),
            pltpu.VMEM((CH, HDIM), jnp.float32),
            pltpu.SemaphoreType.DMA,
            pltpu.SemaphoreType.DMA,
            pltpu.SemaphoreType.DMA,
            pltpu.SemaphoreType.DMA,
            pltpu.SemaphoreType.DMA,
            pltpu.SemaphoreType.DMA,
            pltpu.SemaphoreType.DMA,
            pltpu.SemaphoreType.DMA,
        ],
        compiler_params=pltpu.CompilerParams(
            use_tc_tiling_on_sc=False, needs_layout_passes=False),
    )(tt, xt)


def kernel(x, table):
    xt = x.T.astype(jnp.int32)
    tt = table.T
    out_t, _ = _gather_t(tt, xt)
    return jnp.transpose(out_t, (2, 0, 1))

# --- scband reference (transcript-rebuilt; emitter-appended) ---
"""Pipeline reference for scband-model-with-embedding-18056042513090 (READ-ONLY COPY).

The authoritative reference and input builder live on the scoring server;
editing this copy changes nothing except your own understanding.
"""

import jax, jax.numpy as jnp
import numpy as np

NUM_EMBEDDINGS = 1000000
EMBEDDING_DIM = 32
BATCH = 16384
HIST_LEN = 50


def setup_inputs(seed: int = 0) -> dict:
    key = jax.random.key(seed)
    k_x, k_table = jax.random.split(key)
    x = jax.random.randint(k_x, (BATCH, HIST_LEN), 0, NUM_EMBEDDINGS, dtype=jnp.int64 if jax.config.jax_enable_x64 else jnp.int32)
    table = jax.random.normal(k_table, (NUM_EMBEDDINGS, EMBEDDING_DIM), dtype=jnp.float32)
    return {"x": x, "table": table}


def reference(x, table):
    # base_model is the identity passthrough (None in the original wrapper):
    # indices flow straight into the embedding lookup.
    h = x  # base_model(x)
    out = jnp.take(table, h, axis=0)  # nn.Embedding lookup -> [B, L, D]
    return out

if __name__ == "__main__":
    import jax
    _d = setup_inputs()
    print(jax.jit(kernel)(*tuple(_d.values())))

</pallas_src>

<mosaic_0001>
#map = affine_map<(d0, d1) -> (0, 0)>
#map1 = affine_map<(d0, d1) -> (0, 0, 0)>
module attributes {stable_mosaic.version = 14 : i64} {
  func.func @_body(%arg0: i32, %arg1: i32, %arg2: memref<32x1000000xf32, #tpu.memory_space<hbm>>, %arg3: memref<50x16384xi32, #tpu.memory_space<hbm>>, %arg4: memref<50x32x16384xf32, #tpu.memory_space<hbm>>, %arg5: memref<2x1000000x16xf32, #tpu.memory_space<hbm>>, %arg6: memref<50x512xi32, #tpu.memory_space<vmem>>, %arg7: memref<512x16xf32, #tpu.memory_space<vmem>>, %arg8: memref<512x16xf32, #tpu.memory_space<vmem>>, %arg9: memref<16x513xf32, #tpu.memory_space<vmem>>, %arg10: memref<16x513xf32, #tpu.memory_space<vmem>>, %arg11: memref<16x1007xf32, #tpu.memory_space<vmem>>, %arg12: memref<16x1007xf32, #tpu.memory_space<vmem>>, %arg13: memref<1000x16xf32, #tpu.memory_space<vmem>>, %arg14: memref<1000x16xf32, #tpu.memory_space<vmem>>, %arg15: memref<!tpu.dma_semaphore, #tpu.memory_space<semaphore_mem>>, %arg16: memref<!tpu.dma_semaphore, #tpu.memory_space<semaphore_mem>>, %arg17: memref<!tpu.dma_semaphore, #tpu.memory_space<semaphore_mem>>, %arg18: memref<!tpu.dma_semaphore, #tpu.memory_space<semaphore_mem>>, %arg19: memref<!tpu.dma_semaphore, #tpu.memory_space<semaphore_mem>>, %arg20: memref<!tpu.dma_semaphore, #tpu.memory_space<semaphore_mem>>, %arg21: memref<!tpu.dma_semaphore, #tpu.memory_space<semaphore_mem>>, %arg22: memref<!tpu.dma_semaphore, #tpu.memory_space<semaphore_mem>>) attributes {dimension_semantics = [#tpu.dimension_semantics<core_parallel>, #tpu.dimension_semantics<subcore_parallel>], iteration_bounds = array<i64: 2, 16>, scalar_prefetch = 0 : i64, scratch_operands = 17 : i64, tpu.core_type = #tpu.core_type<sc_vector_subcore>, window_params = [{transform_indices = #map}, {transform_indices = #map}, {transform_indices = #map1}, {transform_indices = #map1}]} {
    %iota3A = tpu.iota {dimensions = array<i32: 0>} : vector<16xi32>
    %mul3A = arith.constant 16 : i32
    %mul3A_0 = arith.muli %arg0, %mul3A : i32
    %mul3A_1 = arith.constant 1000 : i32
    %mul3A_2 = arith.muli %arg1, %mul3A_1 : i32
    %dma_start3A = arith.constant 0 : i32
    %dma_start3A_3 = arith.constant 0 : i32
    %dma_start3A_4 = tpu.memref_slice %arg11[%dma_start3A, %dma_start3A_3] : memref<16x1007xf32, #tpu.memory_space<vmem>> -> memref<16x1000xf32, #tpu.memory_space<vmem>>
    %dma_start3A_5 = tpu.memref_slice %arg2[%mul3A_0, %mul3A_2] : memref<32x1000000xf32, #tpu.memory_space<hbm>> -> memref<16x1000xf32, #tpu.memory_space<hbm>>
    %dma_start3A_6 = arith.constant 0 : i32
    %dma_start3A_7 = arith.constant 0 : i32
    %dma_start3A_8 = tpu.memref_slice %arg11[%dma_start3A_6, %dma_start3A_7] : memref<16x1007xf32, #tpu.memory_space<vmem>> -> memref<16x1000xf32, #tpu.memory_space<vmem>>
    %dma_start3A_9 = tpu.memref_slice %arg2[%mul3A_0, %mul3A_2] : memref<32x1000000xf32, #tpu.memory_space<hbm>> -> memref<16x1000xf32, #tpu.memory_space<hbm>>
    tpu.enqueue_dma source(%dma_start3A_9 : memref<16x1000xf32, #tpu.memory_space<hbm>>) target(%dma_start3A_8 : memref<16x1000xf32, #tpu.memory_space<vmem>>) target_semaphore(%arg19 : memref<!tpu.dma_semaphore, #tpu.memory_space<semaphore_mem>>)
    %scan3A = arith.constant 0 : i32
    %scan3A_10 = arith.constant 31 : i32
    %scan3A_11 = arith.addi %scan3A, %scan3A_10 : i32
    %scan3A_12 = arith.constant 1 : i32
    scf.for %scan3A_158 = %scan3A to %scan3A_11 step %scan3A_12  : i32 {
      %mul3A_159 = arith.constant 32 : i32
      %mul3A_160 = arith.muli %mul3A_159, %scan3A_158 : i32
      %add3A_161 = arith.addi %arg1, %mul3A_160 : i32
      %add3A_162 = arith.constant 16 : i32
      %add3A_163 = arith.addi %add3A_161, %add3A_162 : i32
      %mul3A_164 = arith.constant 16 : i32
      %mul3A_165 = arith.muli %arg0, %mul3A_164 : i32
      %mul3A_166 = arith.constant 1000 : i32
      %mul3A_167 = arith.muli %add3A_163, %mul3A_166 : i32
      %dma_start3A_168 = arith.constant 0 : i32
      %dma_start3A_169 = arith.constant 0 : i32
      %dma_start3A_170 = tpu.memref_slice %arg12[%dma_start3A_168, %dma_start3A_169] : memref<16x1007xf32, #tpu.memory_space<vmem>> -> memref<16x1000xf32, #tpu.memory_space<vmem>>
      %dma_start3A_171 = tpu.memref_slice %arg2[%mul3A_165, %mul3A_167] : memref<32x1000000xf32, #tpu.memory_space<hbm>> -> memref<16x1000xf32, #tpu.memory_space<hbm>>
      %dma_start3A_172 = arith.constant 0 : i32
      %dma_start3A_173 = arith.constant 0 : i32
      %dma_start3A_174 = tpu.memref_slice %arg12[%dma_start3A_172, %dma_start3A_173] : memref<16x1007xf32, #tpu.memory_space<vmem>> -> memref<16x1000xf32, #tpu.memory_space<vmem>>
      %dma_start3A_175 = tpu.memref_slice %arg2[%mul3A_165, %mul3A_167] : memref<32x1000000xf32, #tpu.memory_space<hbm>> -> memref<16x1000xf32, #tpu.memory_space<hbm>>
      tpu.enqueue_dma source(%dma_start3A_175 : memref<16x1000xf32, #tpu.memory_space<hbm>>) target(%dma_start3A_174 : memref<16x1000xf32, #tpu.memory_space<vmem>>) target_semaphore(%arg20 : memref<!tpu.dma_semaphore, #tpu.memory_space<semaphore_mem>>)
      %dma_wait3A_176 = arith.constant 0 : i32
      %dma_wait3A_177 = arith.constant 0 : i32
      %dma_wait3A_178 = tpu.memref_slice %arg11[%dma_wait3A_176, %dma_wait3A_177] : memref<16x1007xf32, #tpu.memory_space<vmem>> -> memref<16x1000xf32, #tpu.memory_space<vmem>>
      %dma_wait3A_179 = arith.constant 0 : i32
      %dma_wait3A_180 = arith.constant 0 : i32
      %dma_wait3A_181 = tpu.memref_slice %arg2[%dma_wait3A_179, %dma_wait3A_180] : memref<32x1000000xf32, #tpu.memory_space<hbm>> -> memref<16x1000xf32, #tpu.memory_space<hbm>>
      %dma_wait3A_182 = arith.constant 0 : i32
      %dma_wait3A_183 = arith.constant 0 : i32
      %dma_wait3A_184 = tpu.memref_slice %arg11[%dma_wait3A_182, %dma_wait3A_183] : memref<16x1007xf32, #tpu.memory_space<vmem>> -> memref<16x1000xf32, #tpu.memory_space<vmem>>
      %dma_wait3A_185 = arith.constant 0 : i32
      %dma_wait3A_186 = arith.constant 0 : i32
      %dma_wait3A_187 = tpu.memref_slice %arg2[%dma_wait3A_185, %dma_wait3A_186] : memref<32x1000000xf32, #tpu.memory_space<hbm>> -> memref<16x1000xf32, #tpu.memory_space<hbm>>
      tpu.wait_dma2 semaphore(%arg19 : memref<!tpu.dma_semaphore, #tpu.memory_space<semaphore_mem>>) src(%dma_wait3A_187 : memref<16x1000xf32, #tpu.memory_space<hbm>>) dst(%dma_wait3A_184 : memref<16x1000xf32, #tpu.memory_space<vmem>>)
      %gt3A = arith.constant 0 : i32
      %gt3A_188 = arith.cmpi sgt, %scan3A_158, %gt3A : i32
      %convert_element_type3A_189 = arith.extui %gt3A_188 : i1 to i32
      %cond3A_190 = arith.constant 0 : i32
      %cond3A_191 = arith.cmpi ne, %convert_element_type3A_189, %cond3A_190 : i32
      scf.if %cond3A_191 {
        %dma_wait3A_244 = arith.constant 0 : i32
        %dma_wait3A_245 = arith.constant 0 : i32
        %dma_wait3A_246 = tpu.memref_slice %arg5[%arg0, %dma_wait3A_244, %dma_wait3A_245] : memref<2x1000000x16xf32, #tpu.memory_space<hbm>> -> memref<1x1000000x16xf32, #tpu.memory_space<hbm>>
        %dma_wait3A_247 = tpu.memref_squeeze %dma_wait3A_246 : memref<1x1000000x16xf32, #tpu.memory_space<hbm>> -> memref<1000000x16xf32, #tpu.memory_space<hbm>>
        %dma_wait3A_248 = arith.constant 0 : i32
        %dma_wait3A_249 = arith.constant 0 : i32
        %dma_wait3A_250 = tpu.memref_slice %dma_wait3A_247[%dma_wait3A_248, %dma_wait3A_249] : memref<1000000x16xf32, #tpu.memory_space<hbm>> -> memref<1000x16xf32, #tpu.memory_space<hbm>>
        %dma_wait3A_251 = arith.constant 0 : i32
        %dma_wait3A_252 = arith.constant 0 : i32
        %dma_wait3A_253 = tpu.memref_slice %arg5[%arg0, %dma_wait3A_251, %dma_wait3A_252] : memref<2x1000000x16xf32, #tpu.memory_space<hbm>> -> memref<1x1000000x16xf32, #tpu.memory_space<hbm>>
        %dma_wait3A_254 = tpu.memref_squeeze %dma_wait3A_253 : memref<1x1000000x16xf32, #tpu.memory_space<hbm>> -> memref<1000000x16xf32, #tpu.memory_space<hbm>>
        %dma_wait3A_255 = arith.constant 0 : i32
        %dma_wait3A_256 = arith.constant 0 : i32
        %dma_wait3A_257 = tpu.memref_slice %dma_wait3A_254[%dma_wait3A_255, %dma_wait3A_256] : memref<1000000x16xf32, #tpu.memory_space<hbm>> -> memref<1000x16xf32, #tpu.memory_space<hbm>>
        tpu.wait_dma2 semaphore(%arg21 : memref<!tpu.dma_semaphore, #tpu.memory_space<semaphore_mem>>) src(%arg13 : memref<1000x16xf32, #tpu.memory_space<vmem>>) dst(%dma_wait3A_257 : memref<1000x16xf32, #tpu.memory_space<hbm>>)
      } else {
      }
      %mul3A_192 = arith.constant 1000 : i32
      %mul3A_193 = arith.muli %add3A_161, %mul3A_192 : i32
      %dma_start3A_194 = arith.constant 0 : i32
      %dma_start3A_195 = arith.constant 0 : i32
      %dma_start3A_196 = tpu.memref_slice %arg5[%arg0, %dma_start3A_194, %dma_start3A_195] : memref<2x1000000x16xf32, #tpu.memory_space<hbm>> -> memref<1x1000000x16xf32, #tpu.memory_space<hbm>>
      %dma_start3A_197 = tpu.memref_squeeze %dma_start3A_196 : memref<1x1000000x16xf32, #tpu.memory_space<hbm>> -> memref<1000000x16xf32, #tpu.memory_space<hbm>>
      %dma_start3A_198 = arith.constant 0 : i32
      %dma_start3A_199 = tpu.memref_slice %dma_start3A_197[%mul3A_193, %dma_start3A_198] : memref<1000000x16xf32, #tpu.memory_space<hbm>> -> memref<1000x16xf32, #tpu.memory_space<hbm>>
      %dma_start3A_200 = arith.constant 0 : i32
      %dma_start3A_201 = arith.constant 0 : i32
      %dma_start3A_202 = tpu.memref_slice %arg5[%arg0, %dma_start3A_200, %dma_start3A_201] : memref<2x1000000x16xf32, #tpu.memory_space<hbm>> -> memref<1x1000000x16xf32, #tpu.memory_space<hbm>>
      %dma_start3A_203 = tpu.memref_squeeze %dma_start3A_202 : memref<1x1000000x16xf32, #tpu.memory_space<hbm>> -> memref<1000000x16xf32, #tpu.memory_space<hbm>>
      %dma_start3A_204 = arith.constant 0 : i32
      %dma_start3A_205 = tpu.memref_slice %dma_start3A_203[%mul3A_193, %dma_start3A_204] : memref<1000000x16xf32, #tpu.memory_space<hbm>> -> memref<1000x16xf32, #tpu.memory_space<hbm>>
      tpu.enqueue_dma source(%arg13 : memref<1000x16xf32, #tpu.memory_space<vmem>>) target(%dma_start3A_205 : memref<1000x16xf32, #tpu.memory_space<hbm>>) target_semaphore(%arg21 : memref<!tpu.dma_semaphore, #tpu.memory_space<semaphore_mem>>)
      %lt3A_206 = arith.constant 30 : i32
      %lt3A_207 = arith.cmpi slt, %scan3A_158, %lt3A_206 : i32
      %convert_element_type3A_208 = arith.extui %lt3A_207 : i1 to i32
      %cond3A_209 = arith.constant 0 : i32
      %cond3A_210 = arith.cmpi ne, %convert_element_type3A_208, %cond3A_209 : i32
      scf.if %cond3A_210 {
        %add3A_244 = arith.constant 32 : i32
        %add3A_245 = arith.addi %add3A_161, %add3A_244 : i32
        %mul3A_246 = arith.constant 16 : i32
        %mul3A_247 = arith.muli %arg0, %mul3A_246 : i32
        %mul3A_248 = arith.constant 1000 : i32
        %mul3A_249 = arith.muli %add3A_245, %mul3A_248 : i32
        %dma_start3A_250 = arith.constant 0 : i32
        %dma_start3A_251 = arith.constant 0 : i32
        %dma_start3A_252 = tpu.memref_slice %arg11[%dma_start3A_250, %dma_start3A_251] : memref<16x1007xf32, #tpu.memory_space<vmem>> -> memref<16x1000xf32, #tpu.memory_space<vmem>>
        %dma_start3A_253 = tpu.memref_slice %arg2[%mul3A_247, %mul3A_249] : memref<32x1000000xf32, #tpu.memory_space<hbm>> -> memref<16x1000xf32, #tpu.memory_space<hbm>>
        %dma_start3A_254 = arith.constant 0 : i32
        %dma_start3A_255 = arith.constant 0 : i32
        %dma_start3A_256 = tpu.memref_slice %arg11[%dma_start3A_254, %dma_start3A_255] : memref<16x1007xf32, #tpu.memory_space<vmem>> -> memref<16x1000xf32, #tpu.memory_space<vmem>>
        %dma_start3A_257 = tpu.memref_slice %arg2[%mul3A_247, %mul3A_249] : memref<32x1000000xf32, #tpu.memory_space<hbm>> -> memref<16x1000xf32, #tpu.memory_space<hbm>>
        tpu.enqueue_dma source(%dma_start3A_257 : memref<16x1000xf32, #tpu.memory_space<hbm>>) target(%dma_start3A_256 : memref<16x1000xf32, #tpu.memory_space<vmem>>) target_semaphore(%arg19 : memref<!tpu.dma_semaphore, #tpu.memory_space<semaphore_mem>>)
      } else {
      }
      %dma_wait3A_211 = arith.constant 0 : i32
      %dma_wait3A_212 = arith.constant 0 : i32
      %dma_wait3A_213 = tpu.memref_slice %arg12[%dma_wait3A_211, %dma_wait3A_212] : memref<16x1007xf32, #tpu.memory_space<vmem>> -> memref<16x1000xf32, #tpu.memory_space<vmem>>
      %dma_wait3A_214 = arith.constant 0 : i32
      %dma_wait3A_215 = arith.constant 0 : i32
      %dma_wait3A_216 = tpu.memref_slice %arg2[%dma_wait3A_214, %dma_wait3A_215] : memref<32x1000000xf32, #tpu.memory_space<hbm>> -> memref<16x1000xf32, #tpu.memory_space<hbm>>
      %dma_wait3A_217 = arith.constant 0 : i32
      %dma_wait3A_218 = arith.constant 0 : i32
      %dma_wait3A_219 = tpu.memref_slice %arg12[%dma_wait3A_217, %dma_wait3A_218] : memref<16x1007xf32, #tpu.memory_space<vmem>> -> memref<16x1000xf32, #tpu.memory_space<vmem>>
      %dma_wait3A_220 = arith.constant 0 : i32
      %dma_wait3A_221 = arith.constant 0 : i32
      %dma_wait3A_222 = tpu.memref_slice %arg2[%dma_wait3A_220, %dma_wait3A_221] : memref<32x1000000xf32, #tpu.memory_space<hbm>> -> memref<16x1000xf32, #tpu.memory_space<hbm>>
      tpu.wait_dma2 semaphore(%arg20 : memref<!tpu.dma_semaphore, #tpu.memory_space<semaphore_mem>>) src(%dma_wait3A_222 : memref<16x1000xf32, #tpu.memory_space<hbm>>) dst(%dma_wait3A_219 : memref<16x1000xf32, #tpu.memory_space<vmem>>)
      %gt3A_223 = arith.constant 0 : i32
      %gt3A_224 = arith.cmpi sgt, %scan3A_158, %gt3A_223 : i32
      %convert_element_type3A_225 = arith.extui %gt3A_224 : i1 to i32
      %cond3A_226 = arith.constant 0 : i32
      %cond3A_227 = arith.cmpi ne, %convert_element_type3A_225, %cond3A_226 : i32
      scf.if %cond3A_227 {
        %dma_wait3A_244 = arith.constant 0 : i32
        %dma_wait3A_245 = arith.constant 0 : i32
        %dma_wait3A_246 = tpu.memref_slice %arg5[%arg0, %dma_wait3A_244, %dma_wait3A_245] : memref<2x1000000x16xf32, #tpu.memory_space<hbm>> -> memref<1x1000000x16xf32, #tpu.memory_space<hbm>>
        %dma_wait3A_247 = tpu.memref_squeeze %dma_wait3A_246 : memref<1x1000000x16xf32, #tpu.memory_space<hbm>> -> memref<1000000x16xf32, #tpu.memory_space<hbm>>
        %dma_wait3A_248 = arith.constant 0 : i32
        %dma_wait3A_249 = arith.constant 0 : i32
        %dma_wait3A_250 = tpu.memref_slice %dma_wait3A_247[%dma_wait3A_248, %dma_wait3A_249] : memref<1000000x16xf32, #tpu.memory_space<hbm>> -> memref<1000x16xf32, #tpu.memory_space<hbm>>
        %dma_wait3A_251 = arith.constant 0 : i32
        %dma_wait3A_252 = arith.constant 0 : i32
        %dma_wait3A_253 = tpu.memref_slice %arg5[%arg0, %dma_wait3A_251, %dma_wait3A_252] : memref<2x1000000x16xf32, #tpu.memory_space<hbm>> -> memref<1x1000000x16xf32, #tpu.memory_space<hbm>>
        %dma_wait3A_254 = tpu.memref_squeeze %dma_wait3A_253 : memref<1x1000000x16xf32, #tpu.memory_space<hbm>> -> memref<1000000x16xf32, #tpu.memory_space<hbm>>
        %dma_wait3A_255 = arith.constant 0 : i32
        %dma_wait3A_256 = arith.constant 0 : i32
        %dma_wait3A_257 = tpu.memref_slice %dma_wait3A_254[%dma_wait3A_255, %dma_wait3A_256] : memref<1000000x16xf32, #tpu.memory_space<hbm>> -> memref<1000x16xf32, #tpu.memory_space<hbm>>
        tpu.wait_dma2 semaphore(%arg22 : memref<!tpu.dma_semaphore, #tpu.memory_space<semaphore_mem>>) src(%arg14 : memref<1000x16xf32, #tpu.memory_space<vmem>>) dst(%dma_wait3A_257 : memref<1000x16xf32, #tpu.memory_space<hbm>>)
      } else {
      }
      %add3A_228 = arith.constant 16 : i32
      %add3A_229 = arith.addi %add3A_161, %add3A_228 : i32
      %mul3A_230 = arith.constant 1000 : i32
      %mul3A_231 = arith.muli %add3A_229, %mul3A_230 : i32
      %dma_start3A_232 = arith.constant 0 : i32
      %dma_start3A_233 = arith.constant 0 : i32
      %dma_start3A_234 = tpu.memref_slice %arg5[%arg0, %dma_start3A_232, %dma_start3A_233] : memref<2x1000000x16xf32, #tpu.memory_space<hbm>> -> memref<1x1000000x16xf32, #tpu.memory_space<hbm>>
      %dma_start3A_235 = tpu.memref_squeeze %dma_start3A_234 : memref<1x1000000x16xf32, #tpu.memory_space<hbm>> -> memref<1000000x16xf32, #tpu.memory_space<hbm>>
      %dma_start3A_236 = arith.constant 0 : i32
      %dma_start3A_237 = tpu.memref_slice %dma_start3A_235[%mul3A_231, %dma_start3A_236] : memref<1000000x16xf32, #tpu.memory_space<hbm>> -> memref<1000x16xf32, #tpu.memory_space<hbm>>
      %dma_start3A_238 = arith.constant 0 : i32
      %dma_start3A_239 = arith.constant 0 : i32
      %dma_start3A_240 = tpu.memref_slice %arg5[%arg0, %dma_start3A_238, %dma_start3A_239] : memref<2x1000000x16xf32, #tpu.memory_space<hbm>> -> memref<1x1000000x16xf32, #tpu.memory_space<hbm>>
      %dma_start3A_241 = tpu.memref_squeeze %dma_start3A_240 : memref<1x1000000x16xf32, #tpu.memory_space<hbm>> -> memref<1000000x16xf32, #tpu.memory_space<hbm>>
      %dma_start3A_242 = arith.constant 0 : i32
      %dma_start3A_243 = tpu.memref_slice %dma_start3A_241[%mul3A_231, %dma_start3A_242] : memref<1000000x16xf32, #tpu.memory_space<hbm>> -> memref<1000x16xf32, #tpu.memory_space<hbm>>
      tpu.enqueue_dma source(%arg14 : memref<1000x16xf32, #tpu.memory_space<vmem>>) target(%dma_start3A_243 : memref<1000x16xf32, #tpu.memory_space<hbm>>) target_semaphore(%arg22 : memref<!tpu.dma_semaphore, #tpu.memory_space<semaphore_mem>>)
    }
    %scan3A_13 = arith.constant 31 : i32
    %lt3A = arith.constant 8 : i32
    %lt3A_14 = arith.cmpi slt, %arg1, %lt3A : i32
    %convert_element_type3A = arith.extui %lt3A_14 : i1 to i32
    %cond3A = arith.constant 0 : i32
    %cond3A_15 = arith.cmpi ne, %convert_element_type3A, %cond3A : i32
    scf.if %cond3A_15 {
      %add3A_158 = arith.constant 992 : i32
      %add3A_159 = arith.addi %add3A_158, %arg1 : i32
      %mul3A_160 = arith.constant 16 : i32
      %mul3A_161 = arith.muli %arg0, %mul3A_160 : i32
      %mul3A_162 = arith.constant 1000 : i32
      %mul3A_163 = arith.muli %add3A_159, %mul3A_162 : i32
      %dma_start3A_164 = arith.constant 0 : i32
      %dma_start3A_165 = arith.constant 0 : i32
      %dma_start3A_166 = tpu.memref_slice %arg11[%dma_start3A_164, %dma_start3A_165] : memref<16x1007xf32, #tpu.memory_space<vmem>> -> memref<16x1000xf32, #tpu.memory_space<vmem>>
      %dma_start3A_167 = tpu.memref_slice %arg2[%mul3A_161, %mul3A_163] : memref<32x1000000xf32, #tpu.memory_space<hbm>> -> memref<16x1000xf32, #tpu.memory_space<hbm>>
      %dma_start3A_168 = arith.constant 0 : i32
      %dma_start3A_169 = arith.constant 0 : i32
      %dma_start3A_170 = tpu.memref_slice %arg11[%dma_start3A_168, %dma_start3A_169] : memref<16x1007xf32, #tpu.memory_space<vmem>> -> memref<16x1000xf32, #tpu.memory_space<vmem>>
      %dma_start3A_171 = tpu.memref_slice %arg2[%mul3A_161, %mul3A_163] : memref<32x1000000xf32, #tpu.memory_space<hbm>> -> memref<16x1000xf32, #tpu.memory_space<hbm>>
      tpu.enqueue_dma source(%dma_start3A_171 : memref<16x1000xf32, #tpu.memory_space<hbm>>) target(%dma_start3A_170 : memref<16x1000xf32, #tpu.memory_space<vmem>>) target_semaphore(%arg19 : memref<!tpu.dma_semaphore, #tpu.memory_space<semaphore_mem>>)
      %dma_wait3A_172 = arith.constant 0 : i32
      %dma_wait3A_173 = arith.constant 0 : i32
      %dma_wait3A_174 = tpu.memref_slice %arg11[%dma_wait3A_172, %dma_wait3A_173] : memref<16x1007xf32, #tpu.memory_space<vmem>> -> memref<16x1000xf32, #tpu.memory_space<vmem>>
      %dma_wait3A_175 = arith.constant 0 : i32
      %dma_wait3A_176 = arith.constant 0 : i32
      %dma_wait3A_177 = tpu.memref_slice %arg2[%dma_wait3A_175, %dma_wait3A_176] : memref<32x1000000xf32, #tpu.memory_space<hbm>> -> memref<16x1000xf32, #tpu.memory_space<hbm>>
      %dma_wait3A_178 = arith.constant 0 : i32
      %dma_wait3A_179 = arith.constant 0 : i32
      %dma_wait3A_180 = tpu.memref_slice %arg11[%dma_wait3A_178, %dma_wait3A_179] : memref<16x1007xf32, #tpu.memory_space<vmem>> -> memref<16x1000xf32, #tpu.memory_space<vmem>>
      %dma_wait3A_181 = arith.constant 0 : i32
      %dma_wait3A_182 = arith.constant 0 : i32
      %dma_wait3A_183 = tpu.memref_slice %arg2[%dma_wait3A_181, %dma_wait3A_182] : memref<32x1000000xf32, #tpu.memory_space<hbm>> -> memref<16x1000xf32, #tpu.memory_space<hbm>>
      tpu.wait_dma2 semaphore(%arg19 : memref<!tpu.dma_semaphore, #tpu.memory_space<semaphore_mem>>) src(%dma_wait3A_183 : memref<16x1000xf32, #tpu.memory_space<hbm>>) dst(%dma_wait3A_180 : memref<16x1000xf32, #tpu.memory_space<vmem>>)
      %dma_wait3A_184 = arith.constant 0 : i32
      %dma_wait3A_185 = arith.constant 0 : i32
      %dma_wait3A_186 = tpu.memref_slice %arg5[%arg0, %dma_wait3A_184, %dma_wait3A_185] : memref<2x1000000x16xf32, #tpu.memory_space<hbm>> -> memref<1x1000000x16xf32, #tpu.memory_space<hbm>>
      %dma_wait3A_187 = tpu.memref_squeeze %dma_wait3A_186 : memref<1x1000000x16xf32, #tpu.memory_space<hbm>> -> memref<1000000x16xf32, #tpu.memory_space<hbm>>
      %dma_wait3A_188 = arith.constant 0 : i32
      %dma_wait3A_189 = arith.constant 0 : i32
      %dma_wait3A_190 = tpu.memref_slice %dma_wait3A_187[%dma_wait3A_188, %dma_wait3A_189] : memref<1000000x16xf32, #tpu.memory_space<hbm>> -> memref<1000x16xf32, #tpu.memory_space<hbm>>
      %dma_wait3A_191 = arith.constant 0 : i32
      %dma_wait3A_192 = arith.constant 0 : i32
      %dma_wait3A_193 = tpu.memref_slice %arg5[%arg0, %dma_wait3A_191, %dma_wait3A_192] : memref<2x1000000x16xf32, #tpu.memory_space<hbm>> -> memref<1x1000000x16xf32, #tpu.memory_space<hbm>>
      %dma_wait3A_194 = tpu.memref_squeeze %dma_wait3A_193 : memref<1x1000000x16xf32, #tpu.memory_space<hbm>> -> memref<1000000x16xf32, #tpu.memory_space<hbm>>
      %dma_wait3A_195 = arith.constant 0 : i32
      %dma_wait3A_196 = arith.constant 0 : i32
      %dma_wait3A_197 = tpu.memref_slice %dma_wait3A_194[%dma_wait3A_195, %dma_wait3A_196] : memref<1000000x16xf32, #tpu.memory_space<hbm>> -> memref<1000x16xf32, #tpu.memory_space<hbm>>
      tpu.wait_dma2 semaphore(%arg21 : memref<!tpu.dma_semaphore, #tpu.memory_space<semaphore_mem>>) src(%arg13 : memref<1000x16xf32, #tpu.memory_space<vmem>>) dst(%dma_wait3A_197 : memref<1000x16xf32, #tpu.memory_space<hbm>>)
      %mul3A_198 = arith.constant 1000 : i32
      %mul3A_199 = arith.muli %add3A_159, %mul3A_198 : i32
      %dma_start3A_200 = arith.constant 0 : i32
      %dma_start3A_201 = arith.constant 0 : i32
      %dma_start3A_202 = tpu.memref_slice %arg5[%arg0, %dma_start3A_200, %dma_start3A_201] : memref<2x1000000x16xf32, #tpu.memory_space<hbm>> -> memref<1x1000000x16xf32, #tpu.memory_space<hbm>>
      %dma_start3A_203 = tpu.memref_squeeze %dma_start3A_202 : memref<1x1000000x16xf32, #tpu.memory_space<hbm>> -> memref<1000000x16xf32, #tpu.memory_space<hbm>>
      %dma_start3A_204 = arith.constant 0 : i32
      %dma_start3A_205 = tpu.memref_slice %dma_start3A_203[%mul3A_199, %dma_start3A_204] : memref<1000000x16xf32, #tpu.memory_space<hbm>> -> memref<1000x16xf32, #tpu.memory_space<hbm>>
      %dma_start3A_206 = arith.constant 0 : i32
      %dma_start3A_207 = arith.constant 0 : i32
      %dma_start3A_208 = tpu.memref_slice %arg5[%arg0, %dma_start3A_206, %dma_start3A_207] : memref<2x1000000x16xf32, #tpu.memory_space<hbm>> -> memref<1x1000000x16xf32, #tpu.memory_space<hbm>>
      %dma_start3A_209 = tpu.memref_squeeze %dma_start3A_208 : memref<1x1000000x16xf32, #tpu.memory_space<hbm>> -> memref<1000000x16xf32, #tpu.memory_space<hbm>>
      %dma_start3A_210 = arith.constant 0 : i32
      %dma_start3A_211 = tpu.memref_slice %dma_start3A_209[%mul3A_199, %dma_start3A_210] : memref<1000000x16xf32, #tpu.memory_space<hbm>> -> memref<1000x16xf32, #tpu.memory_space<hbm>>
      tpu.enqueue_dma source(%arg13 : memref<1000x16xf32, #tpu.memory_space<vmem>>) target(%dma_start3A_211 : memref<1000x16xf32, #tpu.memory_space<hbm>>) target_semaphore(%arg21 : memref<!tpu.dma_semaphore, #tpu.memory_space<semaphore_mem>>)
    } else {
    }
    %dma_wait3A = arith.constant 0 : i32
    %dma_wait3A_16 = arith.constant 0 : i32
    %dma_wait3A_17 = tpu.memref_slice %arg5[%arg0, %dma_wait3A, %dma_wait3A_16] : memref<2x1000000x16xf32, #tpu.memory_space<hbm>> -> memref<1x1000000x16xf32, #tpu.memory_space<hbm>>
    %dma_wait3A_18 = tpu.memref_squeeze %dma_wait3A_17 : memref<1x1000000x16xf32, #tpu.memory_space<hbm>> -> memref<1000000x16xf32, #tpu.memory_space<hbm>>
    %dma_wait3A_19 = arith.constant 0 : i32
    %dma_wait3A_20 = arith.constant 0 : i32
    %dma_wait3A_21 = tpu.memref_slice %dma_wait3A_18[%dma_wait3A_19, %dma_wait3A_20] : memref<1000000x16xf32, #tpu.memory_space<hbm>> -> memref<1000x16xf32, #tpu.memory_space<hbm>>
    %dma_wait3A_22 = arith.constant 0 : i32
    %dma_wait3A_23 = arith.constant 0 : i32
    %dma_wait3A_24 = tpu.memref_slice %arg5[%arg0, %dma_wait3A_22, %dma_wait3A_23] : memref<2x1000000x16xf32, #tpu.memory_space<hbm>> -> memref<1x1000000x16xf32, #tpu.memory_space<hbm>>
    %dma_wait3A_25 = tpu.memref_squeeze %dma_wait3A_24 : memref<1x1000000x16xf32, #tpu.memory_space<hbm>> -> memref<1000000x16xf32, #tpu.memory_space<hbm>>
    %dma_wait3A_26 = arith.constant 0 : i32
    %dma_wait3A_27 = arith.constant 0 : i32
    %dma_wait3A_28 = tpu.memref_slice %dma_wait3A_25[%dma_wait3A_26, %dma_wait3A_27] : memref<1000000x16xf32, #tpu.memory_space<hbm>> -> memref<1000x16xf32, #tpu.memory_space<hbm>>
    tpu.wait_dma2 semaphore(%arg21 : memref<!tpu.dma_semaphore, #tpu.memory_space<semaphore_mem>>) src(%arg13 : memref<1000x16xf32, #tpu.memory_space<vmem>>) dst(%dma_wait3A_28 : memref<1000x16xf32, #tpu.memory_space<hbm>>)
    %dma_wait3A_29 = arith.constant 0 : i32
    %dma_wait3A_30 = arith.constant 0 : i32
    %dma_wait3A_31 = tpu.memref_slice %arg5[%arg0, %dma_wait3A_29, %dma_wait3A_30] : memref<2x1000000x16xf32, #tpu.memory_space<hbm>> -> memref<1x1000000x16xf32, #tpu.memory_space<hbm>>
    %dma_wait3A_32 = tpu.memref_squeeze %dma_wait3A_31 : memref<1x1000000x16xf32, #tpu.memory_space<hbm>> -> memref<1000000x16xf32, #tpu.memory_space<hbm>>
    %dma_wait3A_33 = arith.constant 0 : i32
    %dma_wait3A_34 = arith.constant 0 : i32
    %dma_wait3A_35 = tpu.memref_slice %dma_wait3A_32[%dma_wait3A_33, %dma_wait3A_34] : memref<1000000x16xf32, #tpu.memory_space<hbm>> -> memref<1000x16xf32, #tpu.memory_space<hbm>>
    %dma_wait3A_36 = arith.constant 0 : i32
    %dma_wait3A_37 = arith.constant 0 : i32
    %dma_wait3A_38 = tpu.memref_slice %arg5[%arg0, %dma_wait3A_36, %dma_wait3A_37] : memref<2x1000000x16xf32, #tpu.memory_space<hbm>> -> memref<1x1000000x16xf32, #tpu.memory_space<hbm>>
    %dma_wait3A_39 = tpu.memref_squeeze %dma_wait3A_38 : memref<1x1000000x16xf32, #tpu.memory_space<hbm>> -> memref<1000000x16xf32, #tpu.memory_space<hbm>>
    %dma_wait3A_40 = arith.constant 0 : i32
    %dma_wait3A_41 = arith.constant 0 : i32
    %dma_wait3A_42 = tpu.memref_slice %dma_wait3A_39[%dma_wait3A_40, %dma_wait3A_41] : memref<1000000x16xf32, #tpu.memory_space<hbm>> -> memref<1000x16xf32, #tpu.memory_space<hbm>>
    tpu.wait_dma2 semaphore(%arg22 : memref<!tpu.dma_semaphore, #tpu.memory_space<semaphore_mem>>) src(%arg14 : memref<1000x16xf32, #tpu.memory_space<vmem>>) dst(%dma_wait3A_42 : memref<1000x16xf32, #tpu.memory_space<hbm>>)
    %barrier3A = arith.constant 0 : index
    tpu.barrier barrier_id(%barrier3A)
    %mul3A_43 = arith.constant 512 : i32
    %mul3A_44 = arith.muli %arg1, %mul3A_43 : i32
    %add3A = arith.constant 0 : i32
    %add3A_45 = arith.addi %add3A, %mul3A_44 : i32
    "tpu.region"() ({
      %run_scoped3A = tpu.sem_alloc : memref<!tpu.dma_semaphore, #tpu.memory_space<semaphore_mem>>
      %dma_start3A_158 = arith.constant 0 : i32
      %dma_start3A_159 = tpu.memref_slice %arg3[%dma_start3A_158, %add3A_45] : memref<50x16384xi32, #tpu.memory_space<hbm>> -> memref<50x512xi32, #tpu.memory_space<hbm>>
      %dma_start3A_160 = arith.constant 0 : i32
      %dma_start3A_161 = tpu.memref_slice %arg3[%dma_start3A_160, %add3A_45] : memref<50x16384xi32, #tpu.memory_space<hbm>> -> memref<50x512xi32, #tpu.memory_space<hbm>>
      tpu.enqueue_dma source(%dma_start3A_161 : memref<50x512xi32, #tpu.memory_space<hbm>>) target(%arg6 : memref<50x512xi32, #tpu.memory_space<vmem>>) target_semaphore(%run_scoped3A : memref<!tpu.dma_semaphore, #tpu.memory_space<semaphore_mem>>)
      %dma_wait3A_162 = arith.constant 0 : i32
      %dma_wait3A_163 = tpu.memref_slice %arg3[%dma_wait3A_162, %add3A_45] : memref<50x16384xi32, #tpu.memory_space<hbm>> -> memref<50x512xi32, #tpu.memory_space<hbm>>
      %dma_wait3A_164 = arith.constant 0 : i32
      %dma_wait3A_165 = tpu.memref_slice %arg3[%dma_wait3A_164, %add3A_45] : memref<50x16384xi32, #tpu.memory_space<hbm>> -> memref<50x512xi32, #tpu.memory_space<hbm>>
      tpu.wait_dma2 semaphore(%run_scoped3A : memref<!tpu.dma_semaphore, #tpu.memory_space<semaphore_mem>>) src(%dma_wait3A_165 : memref<50x512xi32, #tpu.memory_space<hbm>>) dst(%arg6 : memref<50x512xi32, #tpu.memory_space<vmem>>)
      tpu.yield
    }) : () -> ()
    %dma_start3A_46 = arith.constant 0 : i32
    %dma_start3A_47 = arith.constant 0 : i32
    %dma_start3A_48 = tpu.memref_slice %arg6[%dma_start3A_46, %dma_start3A_47] : memref<50x512xi32, #tpu.memory_space<vmem>> -> memref<1x512xi32, #tpu.memory_space<vmem>>
    %dma_start3A_49 = tpu.memref_squeeze %dma_start3A_48 : memref<1x512xi32, #tpu.memory_space<vmem>> -> memref<512xi32, #tpu.memory_space<vmem>>
    %dma_start3A_50 = arith.constant 0 : i32
    %dma_start3A_51 = arith.constant 0 : i32
    %dma_start3A_52 = tpu.memref_slice %arg5[%arg0, %dma_start3A_50, %dma_start3A_51] : memref<2x1000000x16xf32, #tpu.memory_space<hbm>> -> memref<1x1000000x16xf32, #tpu.memory_space<hbm>>
    %dma_start3A_53 = tpu.memref_squeeze %dma_start3A_52 : memref<1x1000000x16xf32, #tpu.memory_space<hbm>> -> memref<1000000x16xf32, #tpu.memory_space<hbm>>
    %dma_start3A_54 = arith.constant 0 : i32
    %dma_start3A_55 = arith.constant 0 : i32
    %dma_start3A_56 = tpu.memref_slice %dma_start3A_53[%dma_start3A_54, %dma_start3A_55] : memref<1000000x16xf32, #tpu.memory_space<hbm>> -> memref<1000000x16xf32, #tpu.memory_space<hbm>>
    tpu.enqueue_indirect_dma source(%dma_start3A_56 : memref<1000000x16xf32, #tpu.memory_space<hbm>>) target(%arg7 : memref<512x16xf32, #tpu.memory_space<vmem>>) offsets(%dma_start3A_49 : memref<512xi32, #tpu.memory_space<vmem>>) semaphore(%arg15 : memref<!tpu.dma_semaphore, #tpu.memory_space<semaphore_mem>>)
    %scan3A_57 = arith.constant 0 : i32
    %scan3A_58 = arith.constant 25 : i32
    %scan3A_59 = arith.addi %scan3A_57, %scan3A_58 : i32
    %scan3A_60 = arith.constant 1 : i32
    scf.for %scan3A_158 = %scan3A_57 to %scan3A_59 step %scan3A_60  : i32 {
      %mul3A_159 = arith.constant 2 : i32
      %mul3A_160 = arith.muli %mul3A_159, %scan3A_158 : i32
      %gt3A = arith.constant 0 : i32
      %gt3A_161 = arith.cmpi sgt, %scan3A_158, %gt3A : i32
      %convert_element_type3A_162 = arith.extui %gt3A_161 : i1 to i32
      %cond3A_163 = arith.constant 0 : i32
      %cond3A_164 = arith.cmpi ne, %convert_element_type3A_162, %cond3A_163 : i32
      scf.if %cond3A_164 {
        %mul3A_252 = arith.constant 16 : i32
        %mul3A_253 = arith.muli %arg0, %mul3A_252 : i32
        %dma_wait3A_254 = arith.constant 0 : i32
        %dma_wait3A_255 = arith.constant 0 : i32
        %dma_wait3A_256 = arith.constant 0 : i32
        %dma_wait3A_257 = tpu.memref_slice %arg9[%dma_wait3A_255, %dma_wait3A_256] : memref<16x513xf32, #tpu.memory_space<vmem>> -> memref<16x512xf32, #tpu.memory_space<vmem>>
        %dma_wait3A_258 = arith.constant 0 : i32
        %dma_wait3A_259 = arith.constant 0 : i32
        %dma_wait3A_260 = tpu.memref_slice %arg4[%dma_wait3A_254, %dma_wait3A_258, %dma_wait3A_259] : memref<50x32x16384xf32, #tpu.memory_space<hbm>> -> memref<1x32x16384xf32, #tpu.memory_space<hbm>>
        %dma_wait3A_261 = tpu.memref_squeeze %dma_wait3A_260 : memref<1x32x16384xf32, #tpu.memory_space<hbm>> -> memref<32x16384xf32, #tpu.memory_space<hbm>>
        %dma_wait3A_262 = tpu.memref_slice %dma_wait3A_261[%mul3A_253, %add3A_45] : memref<32x16384xf32, #tpu.memory_space<hbm>> -> memref<16x512xf32, #tpu.memory_space<hbm>>
        %dma_wait3A_263 = arith.constant 0 : i32
        %dma_wait3A_264 = arith.constant 0 : i32
        %dma_wait3A_265 = tpu.memref_slice %arg4[%dma_wait3A_254, %dma_wait3A_263, %dma_wait3A_264] : memref<50x32x16384xf32, #tpu.memory_space<hbm>> -> memref<1x32x16384xf32, #tpu.memory_space<hbm>>
        %dma_wait3A_266 = tpu.memref_squeeze %dma_wait3A_265 : memref<1x32x16384xf32, #tpu.memory_space<hbm>> -> memref<32x16384xf32, #tpu.memory_space<hbm>>
        %dma_wait3A_267 = tpu.memref_slice %dma_wait3A_266[%mul3A_253, %add3A_45] : memref<32x16384xf32, #tpu.memory_space<hbm>> -> memref<16x512xf32, #tpu.memory_space<hbm>>
        %dma_wait3A_268 = arith.constant 0 : i32
        %dma_wait3A_269 = arith.constant 0 : i32
        %dma_wait3A_270 = tpu.memref_slice %arg9[%dma_wait3A_268, %dma_wait3A_269] : memref<16x513xf32, #tpu.memory_space<vmem>> -> memref<16x512xf32, #tpu.memory_space<vmem>>
        tpu.wait_dma2 semaphore(%arg17 : memref<!tpu.dma_semaphore, #tpu.memory_space<semaphore_mem>>) src(%dma_wait3A_270 : memref<16x512xf32, #tpu.memory_space<vmem>>) dst(%dma_wait3A_267 : memref<16x512xf32, #tpu.memory_space<hbm>>)
      } else {
      }
      %add3A_165 = arith.constant 1 : i32
      %add3A_166 = arith.addi %mul3A_160, %add3A_165 : i32
      %dma_start3A_167 = arith.constant 0 : i32
      %dma_start3A_168 = tpu.memref_slice %arg6[%add3A_166, %dma_start3A_167] : memref<50x512xi32, #tpu.memory_space<vmem>> -> memref<1x512xi32, #tpu.memory_space<vmem>>
      %dma_start3A_169 = tpu.memref_squeeze %dma_start3A_168 : memref<1x512xi32, #tpu.memory_space<vmem>> -> memref<512xi32, #tpu.memory_space<vmem>>
      %dma_start3A_170 = arith.constant 0 : i32
      %dma_start3A_171 = arith.constant 0 : i32
      %dma_start3A_172 = tpu.memref_slice %arg5[%arg0, %dma_start3A_170, %dma_start3A_171] : memref<2x1000000x16xf32, #tpu.memory_space<hbm>> -> memref<1x1000000x16xf32, #tpu.memory_space<hbm>>
      %dma_start3A_173 = tpu.memref_squeeze %dma_start3A_172 : memref<1x1000000x16xf32, #tpu.memory_space<hbm>> -> memref<1000000x16xf32, #tpu.memory_space<hbm>>
      %dma_start3A_174 = arith.constant 0 : i32
      %dma_start3A_175 = arith.constant 0 : i32
      %dma_start3A_176 = tpu.memref_slice %dma_start3A_173[%dma_start3A_174, %dma_start3A_175] : memref<1000000x16xf32, #tpu.memory_space<hbm>> -> memref<1000000x16xf32, #tpu.memory_space<hbm>>
      tpu.enqueue_indirect_dma source(%dma_start3A_176 : memref<1000000x16xf32, #tpu.memory_space<hbm>>) target(%arg8 : memref<512x16xf32, #tpu.memory_space<vmem>>) offsets(%dma_start3A_169 : memref<512xi32, #tpu.memory_space<vmem>>) semaphore(%arg16 : memref<!tpu.dma_semaphore, #tpu.memory_space<semaphore_mem>>)
      %dma_wait3A_177 = arith.constant 0 : i32
      %dma_wait3A_178 = arith.constant 0 : i32
      %dma_wait3A_179 = tpu.memref_slice %arg6[%dma_wait3A_177, %dma_wait3A_178] : memref<50x512xi32, #tpu.memory_space<vmem>> -> memref<1x512xi32, #tpu.memory_space<vmem>>
      %dma_wait3A_180 = tpu.memref_squeeze %dma_wait3A_179 : memref<1x512xi32, #tpu.memory_space<vmem>> -> memref<512xi32, #tpu.memory_space<vmem>>
      %dma_wait3A_181 = arith.constant 0 : i32
      %dma_wait3A_182 = arith.constant 0 : i32
      %dma_wait3A_183 = tpu.memref_slice %arg5[%arg0, %dma_wait3A_181, %dma_wait3A_182] : memref<2x1000000x16xf32, #tpu.memory_space<hbm>> -> memref<1x1000000x16xf32, #tpu.memory_space<hbm>>
      %dma_wait3A_184 = tpu.memref_squeeze %dma_wait3A_183 : memref<1x1000000x16xf32, #tpu.memory_space<hbm>> -> memref<1000000x16xf32, #tpu.memory_space<hbm>>
      %dma_wait3A_185 = arith.constant 0 : i32
      %dma_wait3A_186 = arith.constant 0 : i32
      %dma_wait3A_187 = tpu.memref_slice %dma_wait3A_184[%dma_wait3A_185, %dma_wait3A_186] : memref<1000000x16xf32, #tpu.memory_space<hbm>> -> memref<1000000x16xf32, #tpu.memory_space<hbm>>
      tpu.wait_indirect_dma semaphore(%arg15 : memref<!tpu.dma_semaphore, #tpu.memory_space<semaphore_mem>>) src(%dma_wait3A_187 : memref<1000000x16xf32, #tpu.memory_space<hbm>>) dst(%arg7 : memref<512x16xf32, #tpu.memory_space<vmem>>)
      %parallel_loop3A = arith.constant 0 : i32
      %parallel_loop3A_188 = arith.constant 512 : i32
      %parallel_loop3A_189 = arith.constant 1 : i32
      scf.for %parallel_loop3A_252 = %parallel_loop3A to %parallel_loop3A_188 step %parallel_loop3A_189  : i32 {
        %parallel_loop3A_253 = arith.constant 0 : i32
        %parallel_loop3A_254 = vector.broadcast %parallel_loop3A_253 : i32 to vector<16xi32>
        %parallel_loop3A_255 = vector.broadcast %parallel_loop3A_252 : i32 to vector<16xi32>
        %parallel_loop3A_256 = arith.addi %parallel_loop3A_254, %parallel_loop3A_255 : vector<16xi32>
        %parallel_loop3A_257 = arith.index_cast %parallel_loop3A_252 : i32 to index
        %parallel_loop3A_258 = arith.constant 0 : index
        %parallel_loop3A_259 = tpu.vector_load %arg7[%parallel_loop3A_257, %parallel_loop3A_258] {strides = array<i32>} : memref<512x16xf32, #tpu.memory_space<vmem>>, vector<16xf32>,
        tpu.vector_store_idx %arg9[%iota3A, %parallel_loop3A_256], %parallel_loop3A_259 : memref<16x513xf32, #tpu.memory_space<vmem>>[vector<16xi32>, vector<16xi32>], vector<16xf32>,
      } {sc.loop_unroll_factor = 8 : i64, sc.parallel_access}
      %mul3A_190 = arith.constant 16 : i32
      %mul3A_191 = arith.muli %arg0, %mul3A_190 : i32
      %dma_start3A_192 = arith.constant 0 : i32
      %dma_start3A_193 = arith.constant 0 : i32
      %dma_start3A_194 = tpu.memref_slice %arg9[%dma_start3A_192, %dma_start3A_193] : memref<16x513xf32, #tpu.memory_space<vmem>> -> memref<16x512xf32, #tpu.memory_space<vmem>>
      %dma_start3A_195 = arith.constant 0 : i32
      %dma_start3A_196 = arith.constant 0 : i32
      %dma_start3A_197 = tpu.memref_slice %arg4[%mul3A_160, %dma_start3A_195, %dma_start3A_196] : memref<50x32x16384xf32, #tpu.memory_space<hbm>> -> memref<1x32x16384xf32, #tpu.memory_space<hbm>>
      %dma_start3A_198 = tpu.memref_squeeze %dma_start3A_197 : memref<1x32x16384xf32, #tpu.memory_space<hbm>> -> memref<32x16384xf32, #tpu.memory_space<hbm>>
      %dma_start3A_199 = tpu.memref_slice %dma_start3A_198[%mul3A_191, %add3A_45] : memref<32x16384xf32, #tpu.memory_space<hbm>> -> memref<16x512xf32, #tpu.memory_space<hbm>>
      %dma_start3A_200 = arith.constant 0 : i32
      %dma_start3A_201 = arith.constant 0 : i32
      %dma_start3A_202 = tpu.memref_slice %arg4[%mul3A_160, %dma_start3A_200, %dma_start3A_201] : memref<50x32x16384xf32, #tpu.memory_space<hbm>> -> memref<1x32x16384xf32, #tpu.memory_space<hbm>>
      %dma_start3A_203 = tpu.memref_squeeze %dma_start3A_202 : memref<1x32x16384xf32, #tpu.memory_space<hbm>> -> memref<32x16384xf32, #tpu.memory_space<hbm>>
      %dma_start3A_204 = tpu.memref_slice %dma_start3A_203[%mul3A_191, %add3A_45] : memref<32x16384xf32, #tpu.memory_space<hbm>> -> memref<16x512xf32, #tpu.memory_space<hbm>>
      %dma_start3A_205 = arith.constant 0 : i32
      %dma_start3A_206 = arith.constant 0 : i32
      %dma_start3A_207 = tpu.memref_slice %arg9[%dma_start3A_205, %dma_start3A_206] : memref<16x513xf32, #tpu.memory_space<vmem>> -> memref<16x512xf32, #tpu.memory_space<vmem>>
      tpu.enqueue_dma source(%dma_start3A_207 : memref<16x512xf32, #tpu.memory_space<vmem>>) target(%dma_start3A_204 : memref<16x512xf32, #tpu.memory_space<hbm>>) target_semaphore(%arg17 : memref<!tpu.dma_semaphore, #tpu.memory_space<semaphore_mem>>)
      %gt3A_208 = arith.constant 0 : i32
      %gt3A_209 = arith.cmpi sgt, %scan3A_158, %gt3A_208 : i32
      %convert_element_type3A_210 = arith.extui %gt3A_209 : i1 to i32
      %cond3A_211 = arith.constant 0 : i32
      %cond3A_212 = arith.cmpi ne, %convert_element_type3A_210, %cond3A_211 : i32
      scf.if %cond3A_212 {
        %mul3A_252 = arith.constant 16 : i32
        %mul3A_253 = arith.muli %arg0, %mul3A_252 : i32
        %dma_wait3A_254 = arith.constant 0 : i32
        %dma_wait3A_255 = arith.constant 0 : i32
        %dma_wait3A_256 = arith.constant 0 : i32
        %dma_wait3A_257 = tpu.memref_slice %arg10[%dma_wait3A_255, %dma_wait3A_256] : memref<16x513xf32, #tpu.memory_space<vmem>> -> memref<16x512xf32, #tpu.memory_space<vmem>>
        %dma_wait3A_258 = arith.constant 0 : i32
        %dma_wait3A_259 = arith.constant 0 : i32
        %dma_wait3A_260 = tpu.memref_slice %arg4[%dma_wait3A_254, %dma_wait3A_258, %dma_wait3A_259] : memref<50x32x16384xf32, #tpu.memory_space<hbm>> -> memref<1x32x16384xf32, #tpu.memory_space<hbm>>
        %dma_wait3A_261 = tpu.memref_squeeze %dma_wait3A_260 : memref<1x32x16384xf32, #tpu.memory_space<hbm>> -> memref<32x16384xf32, #tpu.memory_space<hbm>>
        %dma_wait3A_262 = tpu.memref_slice %dma_wait3A_261[%mul3A_253, %add3A_45] : memref<32x16384xf32, #tpu.memory_space<hbm>> -> memref<16x512xf32, #tpu.memory_space<hbm>>
        %dma_wait3A_263 = arith.constant 0 : i32
        %dma_wait3A_264 = arith.constant 0 : i32
        %dma_wait3A_265 = tpu.memref_slice %arg4[%dma_wait3A_254, %dma_wait3A_263, %dma_wait3A_264] : memref<50x32x16384xf32, #tpu.memory_space<hbm>> -> memref<1x32x16384xf32, #tpu.memory_space<hbm>>
        %dma_wait3A_266 = tpu.memref_squeeze %dma_wait3A_265 : memref<1x32x16384xf32, #tpu.memory_space<hbm>> -> memref<32x16384xf32, #tpu.memory_space<hbm>>
        %dma_wait3A_267 = tpu.memref_slice %dma_wait3A_266[%mul3A_253, %add3A_45] : memref<32x16384xf32, #tpu.memory_space<hbm>> -> memref<16x512xf32, #tpu.memory_space<hbm>>
        %dma_wait3A_268 = arith.constant 0 : i32
        %dma_wait3A_269 = arith.constant 0 : i32
        %dma_wait3A_270 = tpu.memref_slice %arg10[%dma_wait3A_268, %dma_wait3A_269] : memref<16x513xf32, #tpu.memory_space<vmem>> -> memref<16x512xf32, #tpu.memory_space<vmem>>
        tpu.wait_dma2 semaphore(%arg18 : memref<!tpu.dma_semaphore, #tpu.memory_space<semaphore_mem>>) src(%dma_wait3A_270 : memref<16x512xf32, #tpu.memory_space<vmem>>) dst(%dma_wait3A_267 : memref<16x512xf32, #tpu.memory_space<hbm>>)
      } else {
      }
      %lt3A_213 = arith.constant 24 : i32
      %lt3A_214 = arith.cmpi slt, %scan3A_158, %lt3A_213 : i32
      %convert_element_type3A_215 = arith.extui %lt3A_214 : i1 to i32
      %cond3A_216 = arith.constant 0 : i32
      %cond3A_217 = arith.cmpi ne, %convert_element_type3A_215, %cond3A_216 : i32
      scf.if %cond3A_217 {
        %add3A_252 = arith.constant 2 : i32
        %add3A_253 = arith.addi %mul3A_160, %add3A_252 : i32
        %dma_start3A_254 = arith.constant 0 : i32
        %dma_start3A_255 = tpu.memref_slice %arg6[%add3A_253, %dma_start3A_254] : memref<50x512xi32, #tpu.memory_space<vmem>> -> memref<1x512xi32, #tpu.memory_space<vmem>>
        %dma_start3A_256 = tpu.memref_squeeze %dma_start3A_255 : memref<1x512xi32, #tpu.memory_space<vmem>> -> memref<512xi32, #tpu.memory_space<vmem>>
        %dma_start3A_257 = arith.constant 0 : i32
        %dma_start3A_258 = arith.constant 0 : i32
        %dma_start3A_259 = tpu.memref_slice %arg5[%arg0, %dma_start3A_257, %dma_start3A_258] : memref<2x1000000x16xf32, #tpu.memory_space<hbm>> -> memref<1x1000000x16xf32, #tpu.memory_space<hbm>>
        %dma_start3A_260 = tpu.memref_squeeze %dma_start3A_259 : memref<1x1000000x16xf32, #tpu.memory_space<hbm>> -> memref<1000000x16xf32, #tpu.memory_space<hbm>>
        %dma_start3A_261 = arith.constant 0 : i32
        %dma_start3A_262 = arith.constant 0 : i32
        %dma_start3A_263 = tpu.memref_slice %dma_start3A_260[%dma_start3A_261, %dma_start3A_262] : memref<1000000x16xf32, #tpu.memory_space<hbm>> -> memref<1000000x16xf32, #tpu.memory_space<hbm>>
        tpu.enqueue_indirect_dma source(%dma_start3A_263 : memref<1000000x16xf32, #tpu.memory_space<hbm>>) target(%arg7 : memref<512x16xf32, #tpu.memory_space<vmem>>) offsets(%dma_start3A_256 : memref<512xi32, #tpu.memory_space<vmem>>) semaphore(%arg15 : memref<!tpu.dma_semaphore, #tpu.memory_space<semaphore_mem>>)
      } else {
      }
      %dma_wait3A_218 = arith.constant 0 : i32
      %dma_wait3A_219 = arith.constant 0 : i32
      %dma_wait3A_220 = tpu.memref_slice %arg6[%dma_wait3A_218, %dma_wait3A_219] : memref<50x512xi32, #tpu.memory_space<vmem>> -> memref<1x512xi32, #tpu.memory_space<vmem>>
      %dma_wait3A_221 = tpu.memref_squeeze %dma_wait3A_220 : memref<1x512xi32, #tpu.memory_space<vmem>> -> memref<512xi32, #tpu.memory_space<vmem>>
      %dma_wait3A_222 = arith.constant 0 : i32
      %dma_wait3A_223 = arith.constant 0 : i32
      %dma_wait3A_224 = tpu.memref_slice %arg5[%arg0, %dma_wait3A_222, %dma_wait3A_223] : memref<2x1000000x16xf32, #tpu.memory_space<hbm>> -> memref<1x1000000x16xf32, #tpu.memory_space<hbm>>
      %dma_wait3A_225 = tpu.memref_squeeze %dma_wait3A_224 : memref<1x1000000x16xf32, #tpu.memory_space<hbm>> -> memref<1000000x16xf32, #tpu.memory_space<hbm>>
      %dma_wait3A_226 = arith.constant 0 : i32
      %dma_wait3A_227 = arith.constant 0 : i32
      %dma_wait3A_228 = tpu.memref_slice %dma_wait3A_225[%dma_wait3A_226, %dma_wait3A_227] : memref<1000000x16xf32, #tpu.memory_space<hbm>> -> memref<1000000x16xf32, #tpu.memory_space<hbm>>
      tpu.wait_indirect_dma semaphore(%arg16 : memref<!tpu.dma_semaphore, #tpu.memory_space<semaphore_mem>>) src(%dma_wait3A_228 : memref<1000000x16xf32, #tpu.memory_space<hbm>>) dst(%arg8 : memref<512x16xf32, #tpu.memory_space<vmem>>)
      %parallel_loop3A_229 = arith.constant 0 : i32
      %parallel_loop3A_230 = arith.constant 512 : i32
      %parallel_loop3A_231 = arith.constant 1 : i32
      scf.for %parallel_loop3A_252 = %parallel_loop3A_229 to %parallel_loop3A_230 step %parallel_loop3A_231  : i32 {
        %parallel_loop3A_253 = arith.constant 0 : i32
        %parallel_loop3A_254 = vector.broadcast %parallel_loop3A_253 : i32 to vector<16xi32>
        %parallel_loop3A_255 = vector.broadcast %parallel_loop3A_252 : i32 to vector<16xi32>
        %parallel_loop3A_256 = arith.addi %parallel_loop3A_254, %parallel_loop3A_255 : vector<16xi32>
        %parallel_loop3A_257 = arith.index_cast %parallel_loop3A_252 : i32 to index
        %parallel_loop3A_258 = arith.constant 0 : index
        %parallel_loop3A_259 = tpu.vector_load %arg8[%parallel_loop3A_257, %parallel_loop3A_258] {strides = array<i32>} : memref<512x16xf32, #tpu.memory_space<vmem>>, vector<16xf32>,
        tpu.vector_store_idx %arg10[%iota3A, %parallel_loop3A_256], %parallel_loop3A_259 : memref<16x513xf32, #tpu.memory_space<vmem>>[vector<16xi32>, vector<16xi32>], vector<16xf32>,
      } {sc.loop_unroll_factor = 8 : i64, sc.parallel_access}
      %add3A_232 = arith.constant 1 : i32
      %add3A_233 = arith.addi %mul3A_160, %add3A_232 : i32
      %mul3A_234 = arith.constant 16 : i32
      %mul3A_235 = arith.muli %arg0, %mul3A_234 : i32
      %dma_start3A_236 = arith.constant 0 : i32
      %dma_start3A_237 = arith.constant 0 : i32
      %dma_start3A_238 = tpu.memref_slice %arg10[%dma_start3A_236, %dma_start3A_237] : memref<16x513xf32, #tpu.memory_space<vmem>> -> memref<16x512xf32, #tpu.memory_space<vmem>>
      %dma_start3A_239 = arith.constant 0 : i32
      %dma_start3A_240 = arith.constant 0 : i32
      %dma_start3A_241 = tpu.memref_slice %arg4[%add3A_233, %dma_start3A_239, %dma_start3A_240] : memref<50x32x16384xf32, #tpu.memory_space<hbm>> -> memref<1x32x16384xf32, #tpu.memory_space<hbm>>
      %dma_start3A_242 = tpu.memref_squeeze %dma_start3A_241 : memref<1x32x16384xf32, #tpu.memory_space<hbm>> -> memref<32x16384xf32, #tpu.memory_space<hbm>>
      %dma_start3A_243 = tpu.memref_slice %dma_start3A_242[%mul3A_235, %add3A_45] : memref<32x16384xf32, #tpu.memory_space<hbm>> -> memref<16x512xf32, #tpu.memory_space<hbm>>
      %dma_start3A_244 = arith.constant 0 : i32
      %dma_start3A_245 = arith.constant 0 : i32
      %dma_start3A_246 = tpu.memref_slice %arg4[%add3A_233, %dma_start3A_244, %dma_start3A_245] : memref<50x32x16384xf32, #tpu.memory_space<hbm>> -> memref<1x32x16384xf32, #tpu.memory_space<hbm>>
      %dma_start3A_247 = tpu.memref_squeeze %dma_start3A_246 : memref<1x32x16384xf32, #tpu.memory_space<hbm>> -> memref<32x16384xf32, #tpu.memory_space<hbm>>
      %dma_start3A_248 = tpu.memref_slice %dma_start3A_247[%mul3A_235, %add3A_45] : memref<32x16384xf32, #tpu.memory_space<hbm>> -> memref<16x512xf32, #tpu.memory_space<hbm>>
      %dma_start3A_249 = arith.constant 0 : i32
      %dma_start3A_250 = arith.constant 0 : i32
      %dma_start3A_251 = tpu.memref_slice %arg10[%dma_start3A_249, %dma_start3A_250] : memref<16x513xf32, #tpu.memory_space<vmem>> -> memref<16x512xf32, #tpu.memory_space<vmem>>
      tpu.enqueue_dma source(%dma_start3A_251 : memref<16x512xf32, #tpu.memory_space<vmem>>) target(%dma_start3A_248 : memref<16x512xf32, #tpu.memory_space<hbm>>) target_semaphore(%arg18 : memref<!tpu.dma_semaphore, #tpu.memory_space<semaphore_mem>>)
    }
    %scan3A_61 = arith.constant 25 : i32
    %mul3A_62 = arith.constant 16 : i32
    %mul3A_63 = arith.muli %arg0, %mul3A_62 : i32
    %dma_wait3A_64 = arith.constant 0 : i32
    %dma_wait3A_65 = arith.constant 0 : i32
    %dma_wait3A_66 = arith.constant 0 : i32
    %dma_wait3A_67 = tpu.memref_slice %arg9[%dma_wait3A_65, %dma_wait3A_66] : memref<16x513xf32, #tpu.memory_space<vmem>> -> memref<16x512xf32, #tpu.memory_space<vmem>>
    %dma_wait3A_68 = arith.constant 0 : i32
    %dma_wait3A_69 = arith.constant 0 : i32
    %dma_wait3A_70 = tpu.memref_slice %arg4[%dma_wait3A_64, %dma_wait3A_68, %dma_wait3A_69] : memref<50x32x16384xf32, #tpu.memory_space<hbm>> -> memref<1x32x16384xf32, #tpu.memory_space<hbm>>
    %dma_wait3A_71 = tpu.memref_squeeze %dma_wait3A_70 : memref<1x32x16384xf32, #tpu.memory_space<hbm>> -> memref<32x16384xf32, #tpu.memory_space<hbm>>
    %dma_wait3A_72 = tpu.memref_slice %dma_wait3A_71[%mul3A_63, %add3A_45] : memref<32x16384xf32, #tpu.memory_space<hbm>> -> memref<16x512xf32, #tpu.memory_space<hbm>>
    %dma_wait3A_73 = arith.constant 0 : i32
    %dma_wait3A_74 = arith.constant 0 : i32
    %dma_wait3A_75 = tpu.memref_slice %arg4[%dma_wait3A_64, %dma_wait3A_73, %dma_wait3A_74] : memref<50x32x16384xf32, #tpu.memory_space<hbm>> -> memref<1x32x16384xf32, #tpu.memory_space<hbm>>
    %dma_wait3A_76 = tpu.memref_squeeze %dma_wait3A_75 : memref<1x32x16384xf32, #tpu.memory_space<hbm>> -> memref<32x16384xf32, #tpu.memory_space<hbm>>
    %dma_wait3A_77 = tpu.memref_slice %dma_wait3A_76[%mul3A_63, %add3A_45] : memref<32x16384xf32, #tpu.memory_space<hbm>> -> memref<16x512xf32, #tpu.memory_space<hbm>>
    %dma_wait3A_78 = arith.constant 0 : i32
    %dma_wait3A_79 = arith.constant 0 : i32
    %dma_wait3A_80 = tpu.memref_slice %arg9[%dma_wait3A_78, %dma_wait3A_79] : memref<16x513xf32, #tpu.memory_space<vmem>> -> memref<16x512xf32, #tpu.memory_space<vmem>>
    tpu.wait_dma2 semaphore(%arg17 : memref<!tpu.dma_semaphore, #tpu.memory_space<semaphore_mem>>) src(%dma_wait3A_80 : memref<16x512xf32, #tpu.memory_space<vmem>>) dst(%dma_wait3A_77 : memref<16x512xf32, #tpu.memory_space<hbm>>)
    %mul3A_81 = arith.constant 16 : i32
    %mul3A_82 = arith.muli %arg0, %mul3A_81 : i32
    %dma_wait3A_83 = arith.constant 0 : i32
    %dma_wait3A_84 = arith.constant 0 : i32
    %dma_wait3A_85 = arith.constant 0 : i32
    %dma_wait3A_86 = tpu.memref_slice %arg10[%dma_wait3A_84, %dma_wait3A_85] : memref<16x513xf32, #tpu.memory_space<vmem>> -> memref<16x512xf32, #tpu.memory_space<vmem>>
    %dma_wait3A_87 = arith.constant 0 : i32
    %dma_wait3A_88 = arith.constant 0 : i32
    %dma_wait3A_89 = tpu.memref_slice %arg4[%dma_wait3A_83, %dma_wait3A_87, %dma_wait3A_88] : memref<50x32x16384xf32, #tpu.memory_space<hbm>> -> memref<1x32x16384xf32, #tpu.memory_space<hbm>>
    %dma_wait3A_90 = tpu.memref_squeeze %dma_wait3A_89 : memref<1x32x16384xf32, #tpu.memory_space<hbm>> -> memref<32x16384xf32, #tpu.memory_space<hbm>>
    %dma_wait3A_91 = tpu.memref_slice %dma_wait3A_90[%mul3A_82, %add3A_45] : memref<32x16384xf32, #tpu.memory_space<hbm>> -> memref<16x512xf32, #tpu.memory_space<hbm>>
    %dma_wait3A_92 = arith.constant 0 : i32
    %dma_wait3A_93 = arith.constant 0 : i32
    %dma_wait3A_94 = tpu.memref_slice %arg4[%dma_wait3A_83, %dma_wait3A_92, %dma_wait3A_93] : memref<50x32x16384xf32, #tpu.memory_space<hbm>> -> memref<1x32x16384xf32, #tpu.memory_space<hbm>>
    %dma_wait3A_95 = tpu.memref_squeeze %dma_wait3A_94 : memref<1x32x16384xf32, #tpu.memory_space<hbm>> -> memref<32x16384xf32, #tpu.memory_space<hbm>>
    %dma_wait3A_96 = tpu.memref_slice %dma_wait3A_95[%mul3A_82, %add3A_45] : memref<32x16384xf32, #tpu.memory_space<hbm>> -> memref<16x512xf32, #tpu.memory_space<hbm>>
    %dma_wait3A_97 = arith.constant 0 : i32
    %dma_wait3A_98 = arith.constant 0 : i32
    %dma_wait3A_99 = tpu.memref_slice %arg10[%dma_wait3A_97, %dma_wait3A_98] : memref<16x513xf32, #tpu.memory_space<vmem>> -> memref<16x512xf32, #tpu.memory_space<vmem>>
    tpu.wait_dma2 semaphore(%arg18 : memref<!tpu.dma_semaphore, #tpu.memory_space<semaphore_mem>>) src(%dma_wait3A_99 : memref<16x512xf32, #tpu.memory_space<vmem>>) dst(%dma_wait3A_96 : memref<16x512xf32, #tpu.memory_space<hbm>>)
    %mul3A_100 = arith.constant 512 : i32
    %mul3A_101 = arith.muli %arg1, %mul3A_100 : i32
    %add3A_102 = arith.constant 8192 : i32
    %add3A_103 = arith.addi %add3A_102, %mul3A_101 : i32
    "tpu.region"() ({
      %run_scoped3A = tpu.sem_alloc : memref<!tpu.dma_semaphore, #tpu.memory_space<semaphore_mem>>
      %dma_start3A_158 = arith.constant 0 : i32
      %dma_start3A_159 = tpu.memref_slice %arg3[%dma_start3A_158, %add3A_103] : memref<50x16384xi32, #tpu.memory_space<hbm>> -> memref<50x512xi32, #tpu.memory_space<hbm>>
      %dma_start3A_160 = arith.constant 0 : i32
      %dma_start3A_161 = tpu.memref_slice %arg3[%dma_start3A_160, %add3A_103] : memref<50x16384xi32, #tpu.memory_space<hbm>> -> memref<50x512xi32, #tpu.memory_space<hbm>>
      tpu.enqueue_dma source(%dma_start3A_161 : memref<50x512xi32, #tpu.memory_space<hbm>>) target(%arg6 : memref<50x512xi32, #tpu.memory_space<vmem>>) target_semaphore(%run_scoped3A : memref<!tpu.dma_semaphore, #tpu.memory_space<semaphore_mem>>)
      %dma_wait3A_162 = arith.constant 0 : i32
      %dma_wait3A_163 = tpu.memref_slice %arg3[%dma_wait3A_162, %add3A_103] : memref<50x16384xi32, #tpu.memory_space<hbm>> -> memref<50x512xi32, #tpu.memory_space<hbm>>
      %dma_wait3A_164 = arith.constant 0 : i32
      %dma_wait3A_165 = tpu.memref_slice %arg3[%dma_wait3A_164, %add3A_103] : memref<50x16384xi32, #tpu.memory_space<hbm>> -> memref<50x512xi32, #tpu.memory_space<hbm>>
      tpu.wait_dma2 semaphore(%run_scoped3A : memref<!tpu.dma_semaphore, #tpu.memory_space<semaphore_mem>>) src(%dma_wait3A_165 : memref<50x512xi32, #tpu.memory_space<hbm>>) dst(%arg6 : memref<50x512xi32, #tpu.memory_space<vmem>>)
      tpu.yield
    }) : () -> ()
    %dma_start3A_104 = arith.constant 0 : i32
    %dma_start3A_105 = arith.constant 0 : i32
    %dma_start3A_106 = tpu.memref_slice %arg6[%dma_start3A_104, %dma_start3A_105] : memref<50x512xi32, #tpu.memory_space<vmem>> -> memref<1x512xi32, #tpu.memory_space<vmem>>
    %dma_start3A_107 = tpu.memref_squeeze %dma_start3A_106 : memref<1x512xi32, #tpu.memory_space<vmem>> -> memref<512xi32, #tpu.memory_space<vmem>>
    %dma_start3A_108 = arith.constant 0 : i32
    %dma_start3A_109 = arith.constant 0 : i32
    %dma_start3A_110 = tpu.memref_slice %arg5[%arg0, %dma_start3A_108, %dma_start3A_109] : memref<2x1000000x16xf32, #tpu.memory_space<hbm>> -> memref<1x1000000x16xf32, #tpu.memory_space<hbm>>
    %dma_start3A_111 = tpu.memref_squeeze %dma_start3A_110 : memref<1x1000000x16xf32, #tpu.memory_space<hbm>> -> memref<1000000x16xf32, #tpu.memory_space<hbm>>
    %dma_start3A_112 = arith.constant 0 : i32
    %dma_start3A_113 = arith.constant 0 : i32
    %dma_start3A_114 = tpu.memref_slice %dma_start3A_111[%dma_start3A_112, %dma_start3A_113] : memref<1000000x16xf32, #tpu.memory_space<hbm>> -> memref<1000000x16xf32, #tpu.memory_space<hbm>>
    tpu.enqueue_indirect_dma source(%dma_start3A_114 : memref<1000000x16xf32, #tpu.memory_space<hbm>>) target(%arg7 : memref<512x16xf32, #tpu.memory_space<vmem>>) offsets(%dma_start3A_107 : memref<512xi32, #tpu.memory_space<vmem>>) semaphore(%arg15 : memref<!tpu.dma_semaphore, #tpu.memory_space<semaphore_mem>>)
    %scan3A_115 = arith.constant 0 : i32
    %scan3A_116 = arith.constant 25 : i32
    %scan3A_117 = arith.addi %scan3A_115, %scan3A_116 : i32
    %scan3A_118 = arith.constant 1 : i32
    scf.for %scan3A_158 = %scan3A_115 to %scan3A_117 step %scan3A_118  : i32 {
      %mul3A_159 = arith.constant 2 : i32
      %mul3A_160 = arith.muli %mul3A_159, %scan3A_158 : i32
      %gt3A = arith.constant 0 : i32
      %gt3A_161 = arith.cmpi sgt, %scan3A_158, %gt3A : i32
      %convert_element_type3A_162 = arith.extui %gt3A_161 : i1 to i32
      %cond3A_163 = arith.constant 0 : i32
      %cond3A_164 = arith.cmpi ne, %convert_element_type3A_162, %cond3A_163 : i32
      scf.if %cond3A_164 {
        %mul3A_252 = arith.constant 16 : i32
        %mul3A_253 = arith.muli %arg0, %mul3A_252 : i32
        %dma_wait3A_254 = arith.constant 0 : i32
        %dma_wait3A_255 = arith.constant 0 : i32
        %dma_wait3A_256 = arith.constant 0 : i32
        %dma_wait3A_257 = tpu.memref_slice %arg9[%dma_wait3A_255, %dma_wait3A_256] : memref<16x513xf32, #tpu.memory_space<vmem>> -> memref<16x512xf32, #tpu.memory_space<vmem>>
        %dma_wait3A_258 = arith.constant 0 : i32
        %dma_wait3A_259 = arith.constant 0 : i32
        %dma_wait3A_260 = tpu.memref_slice %arg4[%dma_wait3A_254, %dma_wait3A_258, %dma_wait3A_259] : memref<50x32x16384xf32, #tpu.memory_space<hbm>> -> memref<1x32x16384xf32, #tpu.memory_space<hbm>>
        %dma_wait3A_261 = tpu.memref_squeeze %dma_wait3A_260 : memref<1x32x16384xf32, #tpu.memory_space<hbm>> -> memref<32x16384xf32, #tpu.memory_space<hbm>>
        %dma_wait3A_262 = tpu.memref_slice %dma_wait3A_261[%mul3A_253, %add3A_103] : memref<32x16384xf32, #tpu.memory_space<hbm>> -> memref<16x512xf32, #tpu.memory_space<hbm>>
        %dma_wait3A_263 = arith.constant 0 : i32
        %dma_wait3A_264 = arith.constant 0 : i32
        %dma_wait3A_265 = tpu.memref_slice %arg4[%dma_wait3A_254, %dma_wait3A_263, %dma_wait3A_264] : memref<50x32x16384xf32, #tpu.memory_space<hbm>> -> memref<1x32x16384xf32, #tpu.memory_space<hbm>>
        %dma_wait3A_266 = tpu.memref_squeeze %dma_wait3A_265 : memref<1x32x16384xf32, #tpu.memory_space<hbm>> -> memref<32x16384xf32, #tpu.memory_space<hbm>>
        %dma_wait3A_267 = tpu.memref_slice %dma_wait3A_266[%mul3A_253, %add3A_103] : memref<32x16384xf32, #tpu.memory_space<hbm>> -> memref<16x512xf32, #tpu.memory_space<hbm>>
        %dma_wait3A_268 = arith.constant 0 : i32
        %dma_wait3A_269 = arith.constant 0 : i32
        %dma_wait3A_270 = tpu.memref_slice %arg9[%dma_wait3A_268, %dma_wait3A_269] : memref<16x513xf32, #tpu.memory_space<vmem>> -> memref<16x512xf32, #tpu.memory_space<vmem>>
        tpu.wait_dma2 semaphore(%arg17 : memref<!tpu.dma_semaphore, #tpu.memory_space<semaphore_mem>>) src(%dma_wait3A_270 : memref<16x512xf32, #tpu.memory_space<vmem>>) dst(%dma_wait3A_267 : memref<16x512xf32, #tpu.memory_space<hbm>>)
      } else {
      }
      %add3A_165 = arith.constant 1 : i32
      %add3A_166 = arith.addi %mul3A_160, %add3A_165 : i32
      %dma_start3A_167 = arith.constant 0 : i32
      %dma_start3A_168 = tpu.memref_slice %arg6[%add3A_166, %dma_start3A_167] : memref<50x512xi32, #tpu.memory_space<vmem>> -> memref<1x512xi32, #tpu.memory_space<vmem>>
      %dma_start3A_169 = tpu.memref_squeeze %dma_start3A_168 : memref<1x512xi32, #tpu.memory_space<vmem>> -> memref<512xi32, #tpu.memory_space<vmem>>
      %dma_start3A_170 = arith.constant 0 : i32
      %dma_start3A_171 = arith.constant 0 : i32
      %dma_start3A_172 = tpu.memref_slice %arg5[%arg0, %dma_start3A_170, %dma_start3A_171] : memref<2x1000000x16xf32, #tpu.memory_space<hbm>> -> memref<1x1000000x16xf32, #tpu.memory_space<hbm>>
      %dma_start3A_173 = tpu.memref_squeeze %dma_start3A_172 : memref<1x1000000x16xf32, #tpu.memory_space<hbm>> -> memref<1000000x16xf32, #tpu.memory_space<hbm>>
      %dma_start3A_174 = arith.constant 0 : i32
      %dma_start3A_175 = arith.constant 0 : i32
      %dma_start3A_176 = tpu.memref_slice %dma_start3A_173[%dma_start3A_174, %dma_start3A_175] : memref<1000000x16xf32, #tpu.memory_space<hbm>> -> memref<1000000x16xf32, #tpu.memory_space<hbm>>
      tpu.enqueue_indirect_dma source(%dma_start3A_176 : memref<1000000x16xf32, #tpu.memory_space<hbm>>) target(%arg8 : memref<512x16xf32, #tpu.memory_space<vmem>>) offsets(%dma_start3A_169 : memref<512xi32, #tpu.memory_space<vmem>>) semaphore(%arg16 : memref<!tpu.dma_semaphore, #tpu.memory_space<semaphore_mem>>)
      %dma_wait3A_177 = arith.constant 0 : i32
      %dma_wait3A_178 = arith.constant 0 : i32
      %dma_wait3A_179 = tpu.memref_slice %arg6[%dma_wait3A_177, %dma_wait3A_178] : memref<50x512xi32, #tpu.memory_space<vmem>> -> memref<1x512xi32, #tpu.memory_space<vmem>>
      %dma_wait3A_180 = tpu.memref_squeeze %dma_wait3A_179 : memref<1x512xi32, #tpu.memory_space<vmem>> -> memref<512xi32, #tpu.memory_space<vmem>>
      %dma_wait3A_181 = arith.constant 0 : i32
      %dma_wait3A_182 = arith.constant 0 : i32
      %dma_wait3A_183 = tpu.memref_slice %arg5[%arg0, %dma_wait3A_181, %dma_wait3A_182] : memref<2x1000000x16xf32, #tpu.memory_space<hbm>> -> memref<1x1000000x16xf32, #tpu.memory_space<hbm>>
      %dma_wait3A_184 = tpu.memref_squeeze %dma_wait3A_183 : memref<1x1000000x16xf32, #tpu.memory_space<hbm>> -> memref<1000000x16xf32, #tpu.memory_space<hbm>>
      %dma_wait3A_185 = arith.constant 0 : i32
      %dma_wait3A_186 = arith.constant 0 : i32
      %dma_wait3A_187 = tpu.memref_slice %dma_wait3A_184[%dma_wait3A_185, %dma_wait3A_186] : memref<1000000x16xf32, #tpu.memory_space<hbm>> -> memref<1000000x16xf32, #tpu.memory_space<hbm>>
      tpu.wait_indirect_dma semaphore(%arg15 : memref<!tpu.dma_semaphore, #tpu.memory_space<semaphore_mem>>) src(%dma_wait3A_187 : memref<1000000x16xf32, #tpu.memory_space<hbm>>) dst(%arg7 : memref<512x16xf32, #tpu.memory_space<vmem>>)
      %parallel_loop3A = arith.constant 0 : i32
      %parallel_loop3A_188 = arith.constant 512 : i32
      %parallel_loop3A_189 = arith.constant 1 : i32
      scf.for %parallel_loop3A_252 = %parallel_loop3A to %parallel_loop3A_188 step %parallel_loop3A_189  : i32 {
        %parallel_loop3A_253 = arith.constant 0 : i32
        %parallel_loop3A_254 = vector.broadcast %parallel_loop3A_253 : i32 to vector<16xi32>
        %parallel_loop3A_255 = vector.broadcast %parallel_loop3A_252 : i32 to vector<16xi32>
        %parallel_loop3A_256 = arith.addi %parallel_loop3A_254, %parallel_loop3A_255 : vector<16xi32>
        %parallel_loop3A_257 = arith.index_cast %parallel_loop3A_252 : i32 to index
        %parallel_loop3A_258 = arith.constant 0 : index
        %parallel_loop3A_259 = tpu.vector_load %arg7[%parallel_loop3A_257, %parallel_loop3A_258] {strides = array<i32>} : memref<512x16xf32, #tpu.memory_space<vmem>>, vector<16xf32>,
        tpu.vector_store_idx %arg9[%iota3A, %parallel_loop3A_256], %parallel_loop3A_259 : memref<16x513xf32, #tpu.memory_space<vmem>>[vector<16xi32>, vector<16xi32>], vector<16xf32>,
      } {sc.loop_unroll_factor = 8 : i64, sc.parallel_access}
      %mul3A_190 = arith.constant 16 : i32
      %mul3A_191 = arith.muli %arg0, %mul3A_190 : i32
      %dma_start3A_192 = arith.constant 0 : i32
      %dma_start3A_193 = arith.constant 0 : i32
      %dma_start3A_194 = tpu.memref_slice %arg9[%dma_start3A_192, %dma_start3A_193] : memref<16x513xf32, #tpu.memory_space<vmem>> -> memref<16x512xf32, #tpu.memory_space<vmem>>
      %dma_start3A_195 = arith.constant 0 : i32
      %dma_start3A_196 = arith.constant 0 : i32
      %dma_start3A_197 = tpu.memref_slice %arg4[%mul3A_160, %dma_start3A_195, %dma_start3A_196] : memref<50x32x16384xf32, #tpu.memory_space<hbm>> -> memref<1x32x16384xf32, #tpu.memory_space<hbm>>
      %dma_start3A_198 = tpu.memref_squeeze %dma_start3A_197 : memref<1x32x16384xf32, #tpu.memory_space<hbm>> -> memref<32x16384xf32, #tpu.memory_space<hbm>>
      %dma_start3A_199 = tpu.memref_slice %dma_start3A_198[%mul3A_191, %add3A_103] : memref<32x16384xf32, #tpu.memory_space<hbm>> -> memref<16x512xf32, #tpu.memory_space<hbm>>
      %dma_start3A_200 = arith.constant 0 : i32
      %dma_start3A_201 = arith.constant 0 : i32
      %dma_start3A_202 = tpu.memref_slice %arg4[%mul3A_160, %dma_start3A_200, %dma_start3A_201] : memref<50x32x16384xf32, #tpu.memory_space<hbm>> -> memref<1x32x16384xf32, #tpu.memory_space<hbm>>
      %dma_start3A_203 = tpu.memref_squeeze %dma_start3A_202 : memref<1x32x16384xf32, #tpu.memory_space<hbm>> -> memref<32x16384xf32, #tpu.memory_space<hbm>>
      %dma_start3A_204 = tpu.memref_slice %dma_start3A_203[%mul3A_191, %add3A_103] : memref<32x16384xf32, #tpu.memory_space<hbm>> -> memref<16x512xf32, #tpu.memory_space<hbm>>
      %dma_start3A_205 = arith.constant 0 : i32
      %dma_start3A_206 = arith.constant 0 : i32
      %dma_start3A_207 = tpu.memref_slice %arg9[%dma_start3A_205, %dma_start3A_206] : memref<16x513xf32, #tpu.memory_space<vmem>> -> memref<16x512xf32, #tpu.memory_space<vmem>>
      tpu.enqueue_dma source(%dma_start3A_207 : memref<16x512xf32, #tpu.memory_space<vmem>>) target(%dma_start3A_204 : memref<16x512xf32, #tpu.memory_space<hbm>>) target_semaphore(%arg17 : memref<!tpu.dma_semaphore, #tpu.memory_space<semaphore_mem>>)
      %gt3A_208 = arith.constant 0 : i32
      %gt3A_209 = arith.cmpi sgt, %scan3A_158, %gt3A_208 : i32
      %convert_element_type3A_210 = arith.extui %gt3A_209 : i1 to i32
      %cond3A_211 = arith.constant 0 : i32
      %cond3A_212 = arith.cmpi ne, %convert_element_type3A_210, %cond3A_211 : i32
      scf.if %cond3A_212 {
        %mul3A_252 = arith.constant 16 : i32
        %mul3A_253 = arith.muli %arg0, %mul3A_252 : i32
        %dma_wait3A_254 = arith.constant 0 : i32
        %dma_wait3A_255 = arith.constant 0 : i32
        %dma_wait3A_256 = arith.constant 0 : i32
        %dma_wait3A_257 = tpu.memref_slice %arg10[%dma_wait3A_255, %dma_wait3A_256] : memref<16x513xf32, #tpu.memory_space<vmem>> -> memref<16x512xf32, #tpu.memory_space<vmem>>
        %dma_wait3A_258 = arith.constant 0 : i32
        %dma_wait3A_259 = arith.constant 0 : i32
        %dma_wait3A_260 = tpu.memref_slice %arg4[%dma_wait3A_254, %dma_wait3A_258, %dma_wait3A_259] : memref<50x32x16384xf32, #tpu.memory_space<hbm>> -> memref<1x32x16384xf32, #tpu.memory_space<hbm>>
        %dma_wait3A_261 = tpu.memref_squeeze %dma_wait3A_260 : memref<1x32x16384xf32, #tpu.memory_space<hbm>> -> memref<32x16384xf32, #tpu.memory_space<hbm>>
        %dma_wait3A_262 = tpu.memref_slice %dma_wait3A_261[%mul3A_253, %add3A_103] : memref<32x16384xf32, #tpu.memory_space<hbm>> -> memref<16x512xf32, #tpu.memory_space<hbm>>
        %dma_wait3A_263 = arith.constant 0 : i32
        %dma_wait3A_264 = arith.constant 0 : i32
        %dma_wait3A_265 = tpu.memref_slice %arg4[%dma_wait3A_254, %dma_wait3A_263, %dma_wait3A_264] : memref<50x32x16384xf32, #tpu.memory_space<hbm>> -> memref<1x32x16384xf32, #tpu.memory_space<hbm>>
        %dma_wait3A_266 = tpu.memref_squeeze %dma_wait3A_265 : memref<1x32x16384xf32, #tpu.memory_space<hbm>> -> memref<32x16384xf32, #tpu.memory_space<hbm>>
        %dma_wait3A_267 = tpu.memref_slice %dma_wait3A_266[%mul3A_253, %add3A_103] : memref<32x16384xf32, #tpu.memory_space<hbm>> -> memref<16x512xf32, #tpu.memory_space<hbm>>
        %dma_wait3A_268 = arith.constant 0 : i32
        %dma_wait3A_269 = arith.constant 0 : i32
        %dma_wait3A_270 = tpu.memref_slice %arg10[%dma_wait3A_268, %dma_wait3A_269] : memref<16x513xf32, #tpu.memory_space<vmem>> -> memref<16x512xf32, #tpu.memory_space<vmem>>
        tpu.wait_dma2 semaphore(%arg18 : memref<!tpu.dma_semaphore, #tpu.memory_space<semaphore_mem>>) src(%dma_wait3A_270 : memref<16x512xf32, #tpu.memory_space<vmem>>) dst(%dma_wait3A_267 : memref<16x512xf32, #tpu.memory_space<hbm>>)
      } else {
      }
      %lt3A_213 = arith.constant 24 : i32
      %lt3A_214 = arith.cmpi slt, %scan3A_158, %lt3A_213 : i32
      %convert_element_type3A_215 = arith.extui %lt3A_214 : i1 to i32
      %cond3A_216 = arith.constant 0 : i32
      %cond3A_217 = arith.cmpi ne, %convert_element_type3A_215, %cond3A_216 : i32
      scf.if %cond3A_217 {
        %add3A_252 = arith.constant 2 : i32
        %add3A_253 = arith.addi %mul3A_160, %add3A_252 : i32
        %dma_start3A_254 = arith.constant 0 : i32
        %dma_start3A_255 = tpu.memref_slice %arg6[%add3A_253, %dma_start3A_254] : memref<50x512xi32, #tpu.memory_space<vmem>> -> memref<1x512xi32, #tpu.memory_space<vmem>>
        %dma_start3A_256 = tpu.memref_squeeze %dma_start3A_255 : memref<1x512xi32, #tpu.memory_space<vmem>> -> memref<512xi32, #tpu.memory_space<vmem>>
        %dma_start3A_257 = arith.constant 0 : i32
        %dma_start3A_258 = arith.constant 0 : i32
        %dma_start3A_259 = tpu.memref_slice %arg5[%arg0, %dma_start3A_257, %dma_start3A_258] : memref<2x1000000x16xf32, #tpu.memory_space<hbm>> -> memref<1x1000000x16xf32, #tpu.memory_space<hbm>>
        %dma_start3A_260 = tpu.memref_squeeze %dma_start3A_259 : memref<1x1000000x16xf32, #tpu.memory_space<hbm>> -> memref<1000000x16xf32, #tpu.memory_space<hbm>>
        %dma_start3A_261 = arith.constant 0 : i32
        %dma_start3A_262 = arith.constant 0 : i32
        %dma_start3A_263 = tpu.memref_slice %dma_start3A_260[%dma_start3A_261, %dma_start3A_262] : memref<1000000x16xf32, #tpu.memory_space<hbm>> -> memref<1000000x16xf32, #tpu.memory_space<hbm>>
        tpu.enqueue_indirect_dma source(%dma_start3A_263 : memref<1000000x16xf32, #tpu.memory_space<hbm>>) target(%arg7 : memref<512x16xf32, #tpu.memory_space<vmem>>) offsets(%dma_start3A_256 : memref<512xi32, #tpu.memory_space<vmem>>) semaphore(%arg15 : memref<!tpu.dma_semaphore, #tpu.memory_space<semaphore_mem>>)
      } else {
      }
      %dma_wait3A_218 = arith.constant 0 : i32
      %dma_wait3A_219 = arith.constant 0 : i32
      %dma_wait3A_220 = tpu.memref_slice %arg6[%dma_wait3A_218, %dma_wait3A_219] : memref<50x512xi32, #tpu.memory_space<vmem>> -> memref<1x512xi32, #tpu.memory_space<vmem>>
      %dma_wait3A_221 = tpu.memref_squeeze %dma_wait3A_220 : memref<1x512xi32, #tpu.memory_space<vmem>> -> memref<512xi32, #tpu.memory_space<vmem>>
      %dma_wait3A_222 = arith.constant 0 : i32
      %dma_wait3A_223 = arith.constant 0 : i32
      %dma_wait3A_224 = tpu.memref_slice %arg5[%arg0, %dma_wait3A_222, %dma_wait3A_223] : memref<2x1000000x16xf32, #tpu.memory_space<hbm>> -> memref<1x1000000x16xf32, #tpu.memory_space<hbm>>
      %dma_wait3A_225 = tpu.memref_squeeze %dma_wait3A_224 : memref<1x1000000x16xf32, #tpu.memory_space<hbm>> -> memref<1000000x16xf32, #tpu.memory_space<hbm>>
      %dma_wait3A_226 = arith.constant 0 : i32
      %dma_wait3A_227 = arith.constant 0 : i32
      %dma_wait3A_228 = tpu.memref_slice %dma_wait3A_225[%dma_wait3A_226, %dma_wait3A_227] : memref<1000000x16xf32, #tpu.memory_space<hbm>> -> memref<1000000x16xf32, #tpu.memory_space<hbm>>
      tpu.wait_indirect_dma semaphore(%arg16 : memref<!tpu.dma_semaphore, #tpu.memory_space<semaphore_mem>>) src(%dma_wait3A_228 : memref<1000000x16xf32, #tpu.memory_space<hbm>>) dst(%arg8 : memref<512x16xf32, #tpu.memory_space<vmem>>)
      %parallel_loop3A_229 = arith.constant 0 : i32
      %parallel_loop3A_230 = arith.constant 512 : i32
      %parallel_loop3A_231 = arith.constant 1 : i32
      scf.for %parallel_loop3A_252 = %parallel_loop3A_229 to %parallel_loop3A_230 step %parallel_loop3A_231  : i32 {
        %parallel_loop3A_253 = arith.constant 0 : i32
        %parallel_loop3A_254 = vector.broadcast %parallel_loop3A_253 : i32 to vector<16xi32>
        %parallel_loop3A_255 = vector.broadcast %parallel_loop3A_252 : i32 to vector<16xi32>
        %parallel_loop3A_256 = arith.addi %parallel_loop3A_254, %parallel_loop3A_255 : vector<16xi32>
        %parallel_loop3A_257 = arith.index_cast %parallel_loop3A_252 : i32 to index
        %parallel_loop3A_258 = arith.constant 0 : index
        %parallel_loop3A_259 = tpu.vector_load %arg8[%parallel_loop3A_257, %parallel_loop3A_258] {strides = array<i32>} : memref<512x16xf32, #tpu.memory_space<vmem>>, vector<16xf32>,
        tpu.vector_store_idx %arg10[%iota3A, %parallel_loop3A_256], %parallel_loop3A_259 : memref<16x513xf32, #tpu.memory_space<vmem>>[vector<16xi32>, vector<16xi32>], vector<16xf32>,
      } {sc.loop_unroll_factor = 8 : i64, sc.parallel_access}
      %add3A_232 = arith.constant 1 : i32
      %add3A_233 = arith.addi %mul3A_160, %add3A_232 : i32
      %mul3A_234 = arith.constant 16 : i32
      %mul3A_235 = arith.muli %arg0, %mul3A_234 : i32
      %dma_start3A_236 = arith.constant 0 : i32
      %dma_start3A_237 = arith.constant 0 : i32
      %dma_start3A_238 = tpu.memref_slice %arg10[%dma_start3A_236, %dma_start3A_237] : memref<16x513xf32, #tpu.memory_space<vmem>> -> memref<16x512xf32, #tpu.memory_space<vmem>>
      %dma_start3A_239 = arith.constant 0 : i32
      %dma_start3A_240 = arith.constant 0 : i32
      %dma_start3A_241 = tpu.memref_slice %arg4[%add3A_233, %dma_start3A_239, %dma_start3A_240] : memref<50x32x16384xf32, #tpu.memory_space<hbm>> -> memref<1x32x16384xf32, #tpu.memory_space<hbm>>
      %dma_start3A_242 = tpu.memref_squeeze %dma_start3A_241 : memref<1x32x16384xf32, #tpu.memory_space<hbm>> -> memref<32x16384xf32, #tpu.memory_space<hbm>>
      %dma_start3A_243 = tpu.memref_slice %dma_start3A_242[%mul3A_235, %add3A_103] : memref<32x16384xf32, #tpu.memory_space<hbm>> -> memref<16x512xf32, #tpu.memory_space<hbm>>
      %dma_start3A_244 = arith.constant 0 : i32
      %dma_start3A_245 = arith.constant 0 : i32
      %dma_start3A_246 = tpu.memref_slice %arg4[%add3A_233, %dma_start3A_244, %dma_start3A_245] : memref<50x32x16384xf32, #tpu.memory_space<hbm>> -> memref<1x32x16384xf32, #tpu.memory_space<hbm>>
      %dma_start3A_247 = tpu.memref_squeeze %dma_start3A_246 : memref<1x32x16384xf32, #tpu.memory_space<hbm>> -> memref<32x16384xf32, #tpu.memory_space<hbm>>
      %dma_start3A_248 = tpu.memref_slice %dma_start3A_247[%mul3A_235, %add3A_103] : memref<32x16384xf32, #tpu.memory_space<hbm>> -> memref<16x512xf32, #tpu.memory_space<hbm>>
      %dma_start3A_249 = arith.constant 0 : i32
      %dma_start3A_250 = arith.constant 0 : i32
      %dma_start3A_251 = tpu.memref_slice %arg10[%dma_start3A_249, %dma_start3A_250] : memref<16x513xf32, #tpu.memory_space<vmem>> -> memref<16x512xf32, #tpu.memory_space<vmem>>
      tpu.enqueue_dma source(%dma_start3A_251 : memref<16x512xf32, #tpu.memory_space<vmem>>) target(%dma_start3A_248 : memref<16x512xf32, #tpu.memory_space<hbm>>) target_semaphore(%arg18 : memref<!tpu.dma_semaphore, #tpu.memory_space<semaphore_mem>>)
    }
    %scan3A_119 = arith.constant 25 : i32
    %mul3A_120 = arith.constant 16 : i32
    %mul3A_121 = arith.muli %arg0, %mul3A_120 : i32
    %dma_wait3A_122 = arith.constant 0 : i32
    %dma_wait3A_123 = arith.constant 0 : i32
    %dma_wait3A_124 = arith.constant 0 : i32
    %dma_wait3A_125 = tpu.memref_slice %arg9[%dma_wait3A_123, %dma_wait3A_124] : memref<16x513xf32, #tpu.memory_space<vmem>> -> memref<16x512xf32, #tpu.memory_space<vmem>>
    %dma_wait3A_126 = arith.constant 0 : i32
    %dma_wait3A_127 = arith.constant 0 : i32
    %dma_wait3A_128 = tpu.memref_slice %arg4[%dma_wait3A_122, %dma_wait3A_126, %dma_wait3A_127] : memref<50x32x16384xf32, #tpu.memory_space<hbm>> -> memref<1x32x16384xf32, #tpu.memory_space<hbm>>
    %dma_wait3A_129 = tpu.memref_squeeze %dma_wait3A_128 : memref<1x32x16384xf32, #tpu.memory_space<hbm>> -> memref<32x16384xf32, #tpu.memory_space<hbm>>
    %dma_wait3A_130 = tpu.memref_slice %dma_wait3A_129[%mul3A_121, %add3A_103] : memref<32x16384xf32, #tpu.memory_space<hbm>> -> memref<16x512xf32, #tpu.memory_space<hbm>>
    %dma_wait3A_131 = arith.constant 0 : i32
    %dma_wait3A_132 = arith.constant 0 : i32
    %dma_wait3A_133 = tpu.memref_slice %arg4[%dma_wait3A_122, %dma_wait3A_131, %dma_wait3A_132] : memref<50x32x16384xf32, #tpu.memory_space<hbm>> -> memref<1x32x16384xf32, #tpu.memory_space<hbm>>
    %dma_wait3A_134 = tpu.memref_squeeze %dma_wait3A_133 : memref<1x32x16384xf32, #tpu.memory_space<hbm>> -> memref<32x16384xf32, #tpu.memory_space<hbm>>
    %dma_wait3A_135 = tpu.memref_slice %dma_wait3A_134[%mul3A_121, %add3A_103] : memref<32x16384xf32, #tpu.memory_space<hbm>> -> memref<16x512xf32, #tpu.memory_space<hbm>>
    %dma_wait3A_136 = arith.constant 0 : i32
    %dma_wait3A_137 = arith.constant 0 : i32
    %dma_wait3A_138 = tpu.memref_slice %arg9[%dma_wait3A_136, %dma_wait3A_137] : memref<16x513xf32, #tpu.memory_space<vmem>> -> memref<16x512xf32, #tpu.memory_space<vmem>>
    tpu.wait_dma2 semaphore(%arg17 : memref<!tpu.dma_semaphore, #tpu.memory_space<semaphore_mem>>) src(%dma_wait3A_138 : memref<16x512xf32, #tpu.memory_space<vmem>>) dst(%dma_wait3A_135 : memref<16x512xf32, #tpu.memory_space<hbm>>)
    %mul3A_139 = arith.constant 16 : i32
    %mul3A_140 = arith.muli %arg0, %mul3A_139 : i32
    %dma_wait3A_141 = arith.constant 0 : i32
    %dma_wait3A_142 = arith.constant 0 : i32
    %dma_wait3A_143 = arith.constant 0 : i32
    %dma_wait3A_144 = tpu.memref_slice %arg10[%dma_wait3A_142, %dma_wait3A_143] : memref<16x513xf32, #tpu.memory_space<vmem>> -> memref<16x512xf32, #tpu.memory_space<vmem>>
    %dma_wait3A_145 = arith.constant 0 : i32
    %dma_wait3A_146 = arith.constant 0 : i32
    %dma_wait3A_147 = tpu.memref_slice %arg4[%dma_wait3A_141, %dma_wait3A_145, %dma_wait3A_146] : memref<50x32x16384xf32, #tpu.memory_space<hbm>> -> memref<1x32x16384xf32, #tpu.memory_space<hbm>>
    %dma_wait3A_148 = tpu.memref_squeeze %dma_wait3A_147 : memref<1x32x16384xf32, #tpu.memory_space<hbm>> -> memref<32x16384xf32, #tpu.memory_space<hbm>>
    %dma_wait3A_149 = tpu.memref_slice %dma_wait3A_148[%mul3A_140, %add3A_103] : memref<32x16384xf32, #tpu.memory_space<hbm>> -> memref<16x512xf32, #tpu.memory_space<hbm>>
    %dma_wait3A_150 = arith.constant 0 : i32
    %dma_wait3A_151 = arith.constant 0 : i32
    %dma_wait3A_152 = tpu.memref_slice %arg4[%dma_wait3A_141, %dma_wait3A_150, %dma_wait3A_151] : memref<50x32x16384xf32, #tpu.memory_space<hbm>> -> memref<1x32x16384xf32, #tpu.memory_space<hbm>>
    %dma_wait3A_153 = tpu.memref_squeeze %dma_wait3A_152 : memref<1x32x16384xf32, #tpu.memory_space<hbm>> -> memref<32x16384xf32, #tpu.memory_space<hbm>>
    %dma_wait3A_154 = tpu.memref_slice %dma_wait3A_153[%mul3A_140, %add3A_103] : memref<32x16384xf32, #tpu.memory_space<hbm>> -> memref<16x512xf32, #tpu.memory_space<hbm>>
    %dma_wait3A_155 = arith.constant 0 : i32
    %dma_wait3A_156 = arith.constant 0 : i32
    %dma_wait3A_157 = tpu.memref_slice %arg10[%dma_wait3A_155, %dma_wait3A_156] : memref<16x513xf32, #tpu.memory_space<vmem>> -> memref<16x512xf32, #tpu.memory_space<vmem>>
    tpu.wait_dma2 semaphore(%arg18 : memref<!tpu.dma_semaphore, #tpu.memory_space<semaphore_mem>>) src(%dma_wait3A_157 : memref<16x512xf32, #tpu.memory_space<vmem>>) dst(%dma_wait3A_154 : memref<16x512xf32, #tpu.memory_space<hbm>>)
    return
  }
}

</mosaic_0001>

<sc_bundles>
// kernel: _gather_t.3.cloned.1.call-start
scs
__scs_entry_jumppad:
0x0: {  	(pc) =	sbr.rel $0x88, $3  }
0x1: {  	(tag) =	ssettag $0x0;
	lr =	simm.s32 $0x1  }
0x2: {  	[smem:$0x3F9F] =	sst lr;
	_ =	strace $0xD0000000  }
0x3: {  	_ = 	snop  }
0x4: {  	_ = 	snop  }
0x5: {  	_ = 	snop  }
0x6: {  	_ = 	snop  }
0x7: {  	_ = 	snop  }
__scs_overlays_trampoline_lowered:
0x8: {  	[smem:$0x3FAE] =	sst s0  }
0x9: {  	[smem:$0x3FAF] =	sst s1  }
0xa: {  	[smem:$0x3FB0] =	sst s2  }
0xb: {  	[smem:$0x3FB1] =	sst s3  }
0xc: {  	[smem:$0x3FB2] =	sst s4  }
0xd: {  	[smem:$0x3FB3] =	sst s5  }
0xe: {  	[smem:$0x3FB4] =	sst s6  }
0xf: {  	[smem:$0x3FB5] =	sst s7  }
0x10: {  	[smem:$0x3FB6] =	sst s8  }
0x11: {  	[smem:$0x3FB7] =	sst s9;
	s0 =	simm.s32 @!p0 $0x0  }
0x12: {  	s1 =	sld [smem:$0x3F9D];
	s0 =	simm.s32 @p0 $0x1  }
0x13: {  	[smem:$0x3FB8] =	sst s0;
	s0 =	simm.s32 @!p1 $0x0  }
0x14: {  	s2 =	sld [smem:$0x3F9C];
	s0 =	simm.s32 @p1 $0x1  }
0x15: {  	[smem:$0x3FB9] =	sst s0;
	s0 =	simm.s32 @!p2 $0x0  }
0x16: {  	s3 =	sld [smem:$0x3FDB];
	s0 =	simm.s32 @p2 $0x1  }
0x17: {  	s4 =	simm.s32 $0x1BF5;
	[smem:$0x3FBB] =	sst s0  }
0x18: {  	s0 =	sld [smem:$0x3F9E];
	_ =	swait.ge [sflag:s4], $0x0  }
0x19: {  	s7 =	sld [smem:$0x3F9F]  }
0x1a: {  	s8 =	sadd.s32 $0xFFFFE003, lr  }
0x1b: {  	s9 =	sadd.s32 $0xFFFFFEF7, lr;
	s5 =	simm.s32 $0xFFFFFFFF;
	p2 =	slt.u32 s8, $0xFFFFF086  }
0x1c: {  	p1 =	slt.u32 s9, $0xF7A;
	s5 =	simm.s32 @!p2 $0x0  }
0x1d: {  	s5 =	simm.s32 @p1 $0x1;
	p0 =	seq.s32 s7, s2  }
0x1e: {  	s7 =	smul.u32 @!p0 $0xF7A, s2;
	p2 =	seq.s32 @!p0 s5, $0x0  }
0x1f: {  	s9 =	smul.u32 $0xF7A, s1;
	s8 =	simm.s32 @!p0 $0x1BF5;
	p2 =	por !p2, p0  }
0x20: {  	[sflag:s8] =	ssyncset.s32 @!p0 $0xFFFFF086;
	s6 =	sadd.s32 @!p0 s3, s7;
	s7 =	simm.s32 @!p0 $0x108  }
0x21: {  	s3 =	sadd.s32 s3, s9;
	s6 =	sadd.s32 @!p0 $0x88, s6;
	s7 =	simm.s32 @p2 $0x1082  }
0x22: {  	[simem:s7], [sflag:s8] =	dma.local @!p0 [hbm:s6], $0xF7A  }
0x23: {  	s9 =	sor.u32 $0xD0000000, s2;
	s6 =	simm.s32 $0x108;
	_ =	swait.ge @!p0 [sflag:s8], $0x0  }
0x24: {  	s3 =	sadd.s32 $0x88, s3;
	s6 =	simm.s32 @!p1 $0x1082;
	[sflag:s4] =	ssyncset.s32 $0xFFFFF086  }
0x25: {  	[simem:s6], [sflag:s4] =	dma.local [hbm:s3], $0xF7A  }
0x26: {  	[smem:$0x3F9F] =	sst s1;
	(tag) =	ssettag s2;
	_ =	strace s9  }
0x27: {  	s1 =	sld [smem:$0x3FAF]  }
0x28: {  	s2 =	sld [smem:$0x3FB0]  }
0x29: {  	s4 =	sld [smem:$0x3FB2]  }
0x2a: {  	p0 =	seq.s32 s5, $0x0;
	s5 =	sld [smem:$0x3FB3]  }
0x2b: {  	s6 =	sld [smem:$0x3FB4]  }
0x2c: {  	s7 =	sld [smem:$0x3FB5]  }
0x2d: {  	s3 =	simm.s32 $0x108;
	s8 =	sld [smem:$0x3FB6]  }
0x2e: {  	s3 =	simm.s32 @!p0 $0x1082;
	s9 =	sld [smem:$0x3FB7]  }
0x2f: {  	lr =	sadd.s32 s0, s3;
	s0 =	sld [smem:$0x3FAE]  }
0x30: {  	s3 =	sld [smem:$0x3FB1]  }
0x31: {  	[smem:$0x3FBA] =	sst s10  }
0x32: {  	s10 =	sld [smem:$0x3FB8];
	_ =	sdelay $0x3  }
0x33: {  	p0 =	seq.s32 s10, $0x1;
	s10 =	sld [smem:$0x3FBA];
	_ =	sdelay $0x3  }
0x34: {  	[smem:$0x3FBA] =	sst s10  }
0x35: {  	s10 =	sld [smem:$0x3FB9];
	_ =	sdelay $0x3  }
0x36: {  	p1 =	seq.s32 s10, $0x1;
	s10 =	sld [smem:$0x3FBA];
	_ =	sdelay $0x3  }
0x37: {  	[smem:$0x3FBA] =	sst s10  }
0x38: {  	s10 =	sld [smem:$0x3FBB]  }
0x39: {  	_ = 	snop;
	(pc) =	sbr.ind lr, $3  }
0x3a: {  	_ = 	snop  }
0x3b: {  	_ = 	snop  }
0x3c: {  	p2 =	seq.s32 s10, $0x1;
	s10 =	sld [smem:$0x3FBA]  }
0x3d: {  	_ =	shalt  }
0x3e: {  	_ =	shalt  }
0x3f: {  	_ =	shalt  }
0x40: {  	_ =	shalt  }
0x41: {  	_ =	shalt  }
0x42: {  	_ =	shalt  }
0x43: {  	_ =	shalt  }
0x44: {  	_ =	shalt  }
0x45: {  	_ =	shalt  }
0x46: {  	_ =	shalt  }
0x47: {  	_ =	shalt  }
0x48: {  	_ =	shalt  }
0x49: {  	_ =	shalt  }
0x4a: {  	_ =	shalt  }
0x4b: {  	_ =	shalt  }
0x4c: {  	_ =	shalt  }
0x4d: {  	_ =	shalt  }
0x4e: {  	_ =	shalt  }
0x4f: {  	_ =	shalt  }
0x50: {  	_ =	shalt  }
0x51: {  	_ =	shalt  }
0x52: {  	_ =	shalt  }
0x53: {  	_ =	shalt  }
0x54: {  	_ =	shalt  }
0x55: {  	_ =	shalt  }
0x56: {  	_ =	shalt  }
0x57: {  	_ =	shalt  }
0x58: {  	_ =	shalt  }
0x59: {  	_ =	shalt  }
0x5a: {  	_ =	shalt  }
0x5b: {  	_ =	shalt  }
0x5c: {  	_ =	shalt  }
0x5d: {  	_ =	shalt  }
0x5e: {  	_ =	shalt  }
0x5f: {  	_ =	shalt  }
0x60: {  	_ =	shalt  }
0x61: {  	_ =	shalt  }
0x62: {  	_ =	shalt  }
0x63: {  	_ =	shalt  }
0x64: {  	_ =	shalt  }
0x65: {  	_ =	shalt  }
0x66: {  	_ =	shalt  }
0x67: {  	_ =	shalt  }
0x68: {  	_ =	shalt  }
0x69: {  	_ =	shalt  }
0x6a: {  	_ =	shalt  }
0x6b: {  	_ =	shalt  }
0x6c: {  	_ =	shalt  }
0x6d: {  	_ =	shalt  }
0x6e: {  	_ =	shalt  }
0x6f: {  	_ =	shalt  }
0x70: {  	_ =	shalt  }
0x71: {  	_ =	shalt  }
0x72: {  	_ =	shalt  }
0x73: {  	_ =	shalt  }
0x74: {  	_ =	shalt  }
0x75: {  	_ =	shalt  }
0x76: {  	_ =	shalt  }
0x77: {  	_ =	shalt  }
0x78: {  	_ =	shalt  }
0x79: {  	_ =	shalt  }
0x7a: {  	_ =	shalt  }
0x7b: {  	_ =	shalt  }
0x7c: {  	_ =	shalt  }
0x7d: {  	_ =	shalt  }
0x7e: {  	_ =	shalt  }
0x7f: {  	_ =	shalt  }
0x80: {  	_ =	shalt  }
0x81: {  	_ =	shalt  }
0x82: {  	_ =	shalt  }
0x83: {  	_ =	shalt  }
0x84: {  	_ =	shalt  }
0x85: {  	_ =	shalt  }
0x86: {  	_ =	shalt  }
0x87: {  	_ =	shalt  }
.Lfunc_end0:
.L_simem_size_0:
called_computation.1_lowered:
.L_overlay_start_0:
0x88: {  	s2 =	sld [smem:$0x3FD9]  }
0x89: {  	s3 =	sld [smem:$0x3FFE];
	_ =	sdelay $0x1  }
0x8a: {  	s1 =	srdreg.scid  }
0x8b: {  	s0 =	sand.u32 $0x1, s1  }
0x8c: {  	s14 =	sshll.u32 s0, $0xA;
	s2 =	sadd.s32 s3, s2  }
0x8d: {  	s2 =	sadd.s32 s2, s14  }
0x8e: {  	[smem:$0x3FC6] =	sst s2  }
0x8f: {  	_ = 	snop  }
0x90: {  	s2 =	sld [smem:$0x3FD0];
	_ =	sdelay $0x2  }
0x91: {  	s15 =	simm.s32 $0xA;
	s4 =	simm.s32 $0x10  }
0x92: {  	[smem:s4], [sflag:s15] =	dma.local [hbm:s2], $0x1  }
0x93: {  	_ =	swait.eq [sflag:s15], $0x1  }
0x94: {  	[sflag:s15] =	ssyncset.done $0x0  }
0x95: {  	s16 =	sld [smem:$0x10];
	[sflag:s15] =	ssyncadd.s32 $0xFFFFFFFF  }
0x96: {  	s17 =	sld [smem:$0x11];
	(tm) =	ssettm $0x1  }
0x97: {  	s18 =	sld [smem:$0x3FFB];
	_ =	sdelay $0x3  }
0x98: {  	_ =	strace s18  }
0x99: {  	s4 =	sld [smem:$0x3FFC];
	_ =	sdelay $0x3  }
0x9a: {  	_ =	strace s4  }
0x9b: {  	s4 =	sld [smem:$0x3FFD];
	_ =	sdelay $0x3  }
0x9c: {  	_ =	strace s4  }
0x9d: {  	_ =	strace $0x8FFFFFFF  }
0x9e: {  	s19 =	sld [smem:$0x3FDB];
	_ =	sdelay $0x1  }
0x9f: {  	s5 =	simm.s32 $_scs_section_size  }
0xa0: {  	s6 =	simm.s32 $_size__tile_overlayer_lowered;
	s7 =	simm.s32 $_tile_overlayer_lowered  }
0xa1: {  	s22 =	simm.s32 $0x1BFF;
	s21 =	sshll.u32 s7, $0x1;
	s4 =	sadd.s32 s5, s19  }
0xa2: {  	s8 =	simm.s32 $0x0;
	s20 =	sshll.u32 s6, $0x1;
	s6 =	sadd.s32 s21, s4  }
0xa3: {  	[timem:s8], [sflag:s22] =	dma.local [hbm:s6], s20  }
0xa4: {  	_ =	swait.ge [sflag:s22], s20  }
0xa5: {  	s5 =	ssub.s32 $0x0, s20;
	[sflag:s22] =	ssyncset.done $0x0  }
0xa6: {  	[sflag:s22] =	ssyncadd.s32 s5;
	_ =	sdelay $0x1  }
0xa7: {  	s23 =	simm.s32 $0x1B8B  }
0xa8: {  	_ =	swait.ge [sflag:s23], $0x1  }
0xa9: {  	[sflag:s23] =	ssyncset.done $0x0  }
0xaa: {  	s25 =	simm.s32 $0x1B8E;
	s24 =	sld [smem:$0x3FFE];
	[sflag:s23] =	ssyncadd.s32 $0xFFFFFFFF  }
0xab: {  	s26 =	simm.s32 $execute0_lowered;
	[smem:$0x3FD2] =	sst s25  }
0xac: {  	s6 =	sshll.u32 s26, $0x1;
	_ =	strace $0x80000046;
	[dreg:$0x1] =	wrdreg $0xFFFFFFFF  }
0xad: {  	s28 =	simm.s32 $_size_execute0_lowered;
	s4 =	sadd.s32 s4, s6;
	[dreg:$0x0] =	wrdreg $0x0  }
0xae: {  	s6 =	sshll.u32 s28, $0x1;
	[dreg:$0x2] =	wrdreg s4  }
0xaf: {  	[dreg:$0x3] =	wrdreg s6  }
0xb0: {  	[dreg:$0x4] =	wrdreg $0xC0  }
0xb1: {  	_ =	task [dreg:s8], $0x5FFFF  }
0xb2: {  	[dreg:$0x1] =	wrdreg $0xFFFFFFFF  }
0xb3: {  	[dreg:$0x0] =	wrdreg $0x60  }
0xb4: {  	[dreg:$0x2] =	wrdreg s17  }
0xb5: {  	[dreg:$0x3] =	wrdreg s16  }
0xb6: {  	[dreg:$0x4] =	wrdreg s24  }
0xb7: {  	[dreg:$0x5] =	wrdreg $0x9  }
0xb8: {  	_ =	task.clear_ibuf [dreg:s8], $0x6FFFF;
	_ =	strace $0x90000046  }
0xb9: {  	s29 =	simm.s32 $0x9;
	_ =	strace $0x80000048  }
0xba: {  	_ =	swait.ge [sflag:s29], $0x1  }
0xbb: {  	[sflag:s29] =	ssyncadd.s32 $0xFFFFFFFF  }
0xbc: {  	_ =	strace $0x90000048  }
0xbd: {  	_ =	sfence  }
0xbe: {  	s30 =	sld [smem:$0x0];
	_ =	sdelay $0x2  }
0xbf: {  	s31 =	sshll.u32 s1, $0xD;
	s1 =	sshrl.u32 s1, $0x2  }
0xc0: {  	s3 =	sand.u32 $0x4000, s31;
	s1 =	sadd.s32 s1, s30  }
0xc1: {  	s0 =	sor.u32 s3, s0;
	s1 =	sshll.u32 s1, $0x11  }
0xc2: {  	s0 =	sor.u32 s1, s0  }
0xc3: {  	s0 =	sadd.s32 $0x8F2B, s0  }
0xc4: {  	[sflag:s0] =	ssyncadd.remote.s32 $0x1  }
0xc5: {  	_ =	sfence.sel $0xFFFF  }
0xc6: {  	[dreg:$0x0] =	wrdreg $0xFFFFFFFF;
	(pc) =	sbr.abs _section_cstart, $3  }
0xc7: {  	[dreg:$0x1] =	wrdreg $0xFFFFFFFF  }
0xc8: {  	_ =	task.clear_ibuf [dreg:s8], $0x2FFFF;
	_ =	strace $0x9FFFFFFF  }
0xc9: {  	(tm) =	ssettm $0x7FFFFFFF  }
tec
execute0_lowered:
.L_overlay_start_1:
0x0: {  	(tag) =	ssettag $0x1  }
0x1: {  	s29 =	rddreg [dreg:$0x0]  }
0x2: {  	s0 =	rddreg [dreg:$0x1];
	s1 =	srdreg.scid  }
0x3: {  	s2 =	rddreg [dreg:$0x2];
	s12 =	stileid.u32  }
0x4: {  	s3 =	simm.s32 $0x0;
	s1 =	sand.u32 $0x1, s1;
	s7 =	smul.u32 $0x3E8, s12  }
0x5: {  	[smem:$0x7FF] =	sst s3;
	s4 =	sadd.s32 $0x3D1400, s2;
	s30 =	smul.u32 $0x7D0, s12  }
0x6: {  	s22 =	sshll.u32 s12, $0x9;
	s23 =	sshll.u32 s12, $0x6;
	s5 =	smul.u32 $0x1E8480, s1  }
0x7: {  	s6 =	smul.u32 $0xF42400, s1;
	s19 =	ssub.s32 $0x2, s1;
	s1 =	sshll.u32 s1, $0x12  }
0x8: {  	_ =	strace $0x80000047;
	s9 =	sshrl.u32 s19, $0x1;
	s24 =	sor.u32 s22, s1  }
0x9: {  	[dreg:$0x1b] =	wrdreg s30;
	s2 =	sadd.s32 s5, s2;
	s8 =	sadd.s32 s7, s6  }
0xa: {  	s7 =	sadd.s32 $0xF2300, s7;
	s5 =	ssub.s32 s19, s9;
	s9 =	sadd.s32 s0, s23  }
0xb: {  	s10 =	sshrl.u32 s8, $0x3;
	s6 =	sadd.s32 s6, s7;
	[dreg:$0x6] =	wrdreg s9  }
0xc: {  	s26 =	smax.u32 s5, $0x1;
	s13 =	sadd.s32 s29, s10;
	s20 =	sshrl.u32 s6, $0x3  }
0xd: {  	s6 =	sadd.s32 $0xA00, s2;
	s2 =	sshll.u32 s7, $0x1;
	[dreg:$0x8] =	wrdreg s26  }
0xe: {  	s7 =	sor.u32 $0x2000, s22;
	s21 =	sadd.s32 s29, s20;
	[dreg:$0x4] =	wrdreg s13  }
0xf: {  	s25 =	sshrl.u32 s7, $0x3;
	s5 =	sadd.s32 $0x3D090, s13;
	[dreg:$0x5] =	wrdreg s21  }
0x10: {  	s1 =	sor.u32 s1, s7;
	s7 =	sadd.s32 $0x5B8D8, s13;
	[dreg:$0xa] =	wrdreg s5  }
0x11: {  	s10 =	sadd.s32 $0x7A120, s13;
	[dreg:$0xb] =	wrdreg s7  }
0x12: {  	s31 =	simm.s32 $0xE500;
	s14 =	sadd.s32 $0x98968, s13;
	[dreg:$0xc] =	wrdreg s10  }
0x13: {  	s28 =	simm.s32 $0xA400;
	s15 =	sadd.s32 $0xB71B0, s13;
	[dreg:$0xd] =	wrdreg s14  }
0x14: {  	p0 =	sgt.u32 s12, $0x7;
	s16 =	sadd.s32 $0xD59F8, s13;
	[dreg:$0xe] =	wrdreg s15  }
0x15: {  	s12 =	simm.s32 $0xE0F0;
	s17 =	sadd.s32 $0xF4240, s13;
	[dreg:$0xf] =	wrdreg s16  }
0x16: {  	s9 =	sshrl.u32 s24, $0x3;
	s19 =	sadd.s32 $0x112A88, s13;
	[dreg:$0x10] =	wrdreg s17  }
0x17: {  	s18 =	sadd.s32 $0x3E80, s8;
	s20 =	sadd.s32 $0x1312D0, s13;
	[dreg:$0x11] =	wrdreg s19  }
0x18: {  	s22 =	sadd.s32 $0x14FB18, s13;
	s23 =	sadd.s32 $0x16E360, s13;
	[dreg:$0x12] =	wrdreg s20  }
0x19: {  	s24 =	sadd.s32 $0x18CBA8, s13;
	s26 =	sadd.s32 $0x1C9C38, s13;
	[dreg:$0x15] =	wrdreg s22  }
0x1a: {  	s0 =	sadd.s32 s0, s25;
	s11 =	sshrl.u32 s1, $0x3;
	[dreg:$0x16] =	wrdreg s23  }
0x1b: {  	s1 =	sadd.s32 $0x1E848, s13;
	s21 =	sadd.s32 $0x7D00, s8;
	[dreg:$0x17] =	wrdreg s24  }
0x1c: {  	s25 =	sadd.s32 $0x1AB3F0, s13;
	[dreg:$0x1a] =	wrdreg s26;
	s23 =	simm.s32 $0x12400  }
0x1d: {  	s17 =	simm.s32 $0x5;
	s19 =	simm.s32 $0x6;
	s20 =	simm.s32 $0x8  }
0x1e: {  	s22 =	simm.s32 $0x200;
	s7 =	simm.s32 $0x1;
	s24 =	simm.s32 $0xD4C0  }
0x1f: {  	v0 =	vlaneseq.u32;
	s5 =	simm.s32 $0xD6C8;
	s8 =	simm.s32 $0xDCE0;
	[dreg:$0x7] =	wrdreg s0  }
0x20: {  	v0 =	vmul.u32 $0x208, v0;
	s10 =	simm.s32 $0xDEE8;
	s13 =	simm.s32 $0xE2F8;
	[dreg:$0x9] =	wrdreg s1  }
0x21: {  	v1 =	vimm.s32 $0x0;
	vm0 =	vcmask $0x300;
	s15 =	simm.s32 $0x0;
	s0 =	sshrl.u32 s18, $0x3;
	[dreg:$0x13] =	wrdreg s21  }
0x22: {  	v1 =	vsel vm0, $0x3, v1;
	v2 =	vor.u32 $0x1, v0;
	[dreg:$0x19] =	wrdreg s25;
	s18 =	simm.s32 $0x2;
	s0 =	sadd.s32 s0, s29  }
0x23: {  	v3 =	vor.u32 $0x2, v0;
	v4 =	vor.u32 $0x3, v0;
	v5 =	vor.u32 $0x4, v0;
	s21 =	simm.s32 $0xC480;
	[dreg:$0x14] =	wrdreg s0;
	s0 =	sadd.s32 @!p0 s2, s6  }
0x24: {  	v6 =	vor.u32 $0x5, v0;
	v7 =	vor.u32 $0x6, v0;
	v8 =	vor.u32 $0x7, v0;
	s1 =	simm.s32 $0xD8D0;
	s2 =	simm.s32 $0xDAD8;
	[dreg:$0x18] =	wrdreg s0  }
.LBB2_1:
0x25: {  	[dreg:$0x1c] =	wrdreg s15  }
0x26: {  	s0 =	rddreg [dreg:$0x4]  }
0x27: {  	s26 =	rddreg [dreg:$0x9]  }
0x28: {  	[tilespmem:s31], [sflag:$0x5] =	stream.linear.gather [hbm4b:s0+s3], $0x3E8, $0x38;
	[tilespmem:$0x1E000] =	vst v63  }
0x29: {  	s14 =	simm.s32 $0xE8F0;
	s15 =	rddreg [dreg:$0xa]  }
0x2a: {  	[tilespmem:s14], [sflag:$0x5] =	stream.linear.gather [hbm4b:s26+s3], $0x3E8, $0x38;
	[tilespmem:$0x1E000] =	vst v63  }
0x2b: {  	s16 =	simm.s32 $0xECE0;
	s25 =	rddreg [dreg:$0xb]  }
0x2c: {  	[tilespmem:s16], [sflag:$0x5] =	stream.linear.gather [hbm4b:s15+s3], $0x3E8, $0x38;
	[tilespmem:$0x1E000] =	vst v63  }
0x2d: {  	s26 =	simm.s32 $0xF0D0;
	s14 =	rddreg [dreg:$0x14]  }
0x2e: {  	[tilespmem:s26], [sflag:$0x5] =	stream.linear.gather [hbm4b:s25+s3], $0x3E8, $0x38;
	[tilespmem:$0x1E000] =	vst v63  }
0x2f: {  	s15 =	rddreg [dreg:$0xc];
	s16 =	simm.s32 $0xF4C0  }
0x30: {  	[tilespmem:s16], [sflag:$0x5] =	stream.linear.gather [hbm4b:s15+s3], $0x3E8, $0x38;
	[tilespmem:$0x1E000] =	vst v63  }
0x31: {  	s25 =	rddreg [dreg:$0xd];
	s26 =	simm.s32 $0xF8B0  }
0x32: {  	[tilespmem:s26], [sflag:$0x5] =	stream.linear.gather [hbm4b:s25+s3], $0x3E8, $0x38;
	[tilespmem:$0x1E000] =	vst v63  }
0x33: {  	s15 =	rddreg [dreg:$0xe];
	s16 =	simm.s32 $0xFCA0  }
0x34: {  	[tilespmem:s16], [sflag:$0x5] =	stream.linear.gather [hbm4b:s15+s3], $0x3E8, $0x38;
	[tilespmem:$0x1E000] =	vst v63  }
0x35: {  	s25 =	rddreg [dreg:$0xf];
	s26 =	simm.s32 $0x10090  }
0x36: {  	[tilespmem:s26], [sflag:$0x5] =	stream.linear.gather [hbm4b:s25+s3], $0x3E8, $0x38;
	[tilespmem:$0x1E000] =	vst v63  }
0x37: {  	s15 =	rddreg [dreg:$0x10];
	s16 =	simm.s32 $0x10480  }
0x38: {  	[tilespmem:s16], [sflag:$0x5] =	stream.linear.gather [hbm4b:s15+s3], $0x3E8, $0x38;
	[tilespmem:$0x1E000] =	vst v63  }
0x39: {  	s25 =	rddreg [dreg:$0x11];
	s26 =	simm.s32 $0x10870  }
0x3a: {  	[tilespmem:s26], [sflag:$0x5] =	stream.linear.gather [hbm4b:s25+s3], $0x3E8, $0x38;
	[tilespmem:$0x1E000] =	vst v63  }
0x3b: {  	s15 =	rddreg [dreg:$0x12];
	s16 =	simm.s32 $0x10C60  }
0x3c: {  	[tilespmem:s16], [sflag:$0x5] =	stream.linear.gather [hbm4b:s15+s3], $0x3E8, $0x38;
	[tilespmem:$0x1E000] =	vst v63  }
0x3d: {  	s25 =	rddreg [dreg:$0x15];
	s26 =	simm.s32 $0x11050  }
0x3e: {  	[tilespmem:s26], [sflag:$0x5] =	stream.linear.gather [hbm4b:s25+s3], $0x3E8, $0x38;
	[tilespmem:$0x1E000] =	vst v63  }
0x3f: {  	s15 =	rddreg [dreg:$0x16];
	s16 =	simm.s32 $0x11440  }
0x40: {  	[tilespmem:s16], [sflag:$0x5] =	stream.linear.gather [hbm4b:s15+s3], $0x3E8, $0x38;
	[tilespmem:$0x1E000] =	vst v63  }
0x41: {  	s25 =	rddreg [dreg:$0x17];
	s26 =	simm.s32 $0x11830  }
0x42: {  	[tilespmem:s26], [sflag:$0x5] =	stream.linear.gather [hbm4b:s25+s3], $0x3E8, $0x38;
	[tilespmem:$0x1E000] =	vst v63  }
.Ltmp0:
0x43: {  	s15 =	rddreg [dreg:$0x19];
	(pc) =	sbr.rel .LBB2_2-.Ltmp0, $4  }
0x44: {  	s16 =	simm.s32 $0x11C20;
	s25 =	rddreg [dreg:$0x1a]  }
0x45: {  	[tilespmem:s16], [sflag:$0x5] =	stream.linear.gather [hbm4b:s15+s3], $0x3E8, $0x38;
	[tilespmem:$0x1E000] =	vst v63  }
0x46: {  	s26 =	simm.s32 $0x12010;
	s15 =	rddreg [dreg:$0x13];
	s16 =	simm.s32 $0x0  }
0x47: {  	[tilespmem:s26], [sflag:$0x5] =	stream.linear.gather [hbm4b:s25+s3], $0x3E8, $0x38;
	[tilespmem:$0x1E000] =	vst v63  }
.LBB2_3:
0x48: {  	_ =	swait.ge [sflag:s19], $0x3E80  }
0x49: {  	[sflag:s19] =	ssyncset.done $0x0  }
0x4a: {  	[sflag:s19] =	ssyncadd.s32 $0xFFFFC180  }
.LBB2_5:
0x4b: {  	_ =	swait.ge [sflag:s20], $0x3E80  }
0x4c: {  	[sflag:s20] =	ssyncset.done $0x0  }
0x4d: {  	[sflag:s20] =	ssyncadd.s32 $0xFFFFC180  }
.LBB2_6:
0x4e: {  	s16 =	sadd.s32 $0xFA00, s16  }
0x4f: {  	p1 =	sne.s32 s16, $0x1E4600  }
.Ltmp1:
0x50: {  	_ = 	snop;
	(pc) =	sbr.rel @!p1 .LBB2_7-.Ltmp1, $4  }
0x51: {  	_ = 	snop  }
0x52: {  	s0 =	sadd.s32 $0x7D00, s0  }
0x53: {  	s25 =	simm.s32 $0x1A180;
	s15 =	sadd.s32 $0x7D00, s15;
	s14 =	sadd.s32 $0xFA0, s14  }
0x54: {  	[hbm4b:s0+s3] =	stream.linear.scatter [tilespmem:s25], [sflag:$0x8], $0x3E80, $0x38;
	[tilespmem:$0x1E000] =	vst v63  }
.LBB2_2:
0x55: {  	[tilespmem:s23], [sflag:$0x6] =	stream.linear.gather [hbm4b:s14+s3], $0x3E8, $0x38;
	[tilespmem:$0x1E000] =	vst v63  }
0x56: {  	s0 =	sadd.s32 $0x1E848, s14;
	s25 =	simm.s32 $0x127F0  }
0x57: {  	[tilespmem:s25], [sflag:$0x6] =	stream.linear.gather [hbm4b:s0+s3], $0x3E8, $0x38;
	[tilespmem:$0x1E000] =	vst v63  }
0x58: {  	s26 =	simm.s32 $0x12BE0;
	s25 =	sadd.s32 $0x3D090, s14  }
0x59: {  	[tilespmem:s26], [sflag:$0x6] =	stream.linear.gather [hbm4b:s25+s3], $0x3E8, $0x38;
	[tilespmem:$0x1E000] =	vst v63  }
0x5a: {  	s25 =	sadd.s32 $0x5B8D8, s14;
	s26 =	simm.s32 $0x12FD0  }
0x5b: {  	[tilespmem:s26], [sflag:$0x6] =	stream.linear.gather [hbm4b:s25+s3], $0x3E8, $0x38;
	[tilespmem:$0x1E000] =	vst v63  }
0x5c: {  	s25 =	sadd.s32 $0x7A120, s14;
	s26 =	simm.s32 $0x133C0  }
0x5d: {  	[tilespmem:s26], [sflag:$0x6] =	stream.linear.gather [hbm4b:s25+s3], $0x3E8, $0x38;
	[tilespmem:$0x1E000] =	vst v63  }
0x5e: {  	s25 =	sadd.s32 $0x98968, s14;
	s26 =	simm.s32 $0x137B0  }
0x5f: {  	[tilespmem:s26], [sflag:$0x6] =	stream.linear.gather [hbm4b:s25+s3], $0x3E8, $0x38;
	[tilespmem:$0x1E000] =	vst v63  }
0x60: {  	s25 =	sadd.s32 $0xB71B0, s14;
	s26 =	simm.s32 $0x13BA0  }
0x61: {  	[tilespmem:s26], [sflag:$0x6] =	stream.linear.gather [hbm4b:s25+s3], $0x3E8, $0x38;
	[tilespmem:$0x1E000] =	vst v63  }
0x62: {  	s25 =	sadd.s32 $0xD59F8, s14;
	s26 =	simm.s32 $0x13F90  }
0x63: {  	[tilespmem:s26], [sflag:$0x6] =	stream.linear.gather [hbm4b:s25+s3], $0x3E8, $0x38;
	[tilespmem:$0x1E000] =	vst v63  }
0x64: {  	s25 =	sadd.s32 $0xF4240, s14;
	s26 =	simm.s32 $0x14380  }
0x65: {  	[tilespmem:s26], [sflag:$0x6] =	stream.linear.gather [hbm4b:s25+s3], $0x3E8, $0x38;
	[tilespmem:$0x1E000] =	vst v63  }
0x66: {  	s25 =	sadd.s32 $0x112A88, s14;
	s26 =	simm.s32 $0x14770  }
0x67: {  	[tilespmem:s26], [sflag:$0x6] =	stream.linear.gather [hbm4b:s25+s3], $0x3E8, $0x38;
	[tilespmem:$0x1E000] =	vst v63  }
0x68: {  	s25 =	sadd.s32 $0x1312D0, s14;
	s26 =	simm.s32 $0x14B60  }
0x69: {  	[tilespmem:s26], [sflag:$0x6] =	stream.linear.gather [hbm4b:s25+s3], $0x3E8, $0x38;
	[tilespmem:$0x1E000] =	vst v63  }
0x6a: {  	s25 =	sadd.s32 $0x14FB18, s14;
	s26 =	simm.s32 $0x14F50  }
0x6b: {  	[tilespmem:s26], [sflag:$0x6] =	stream.linear.gather [hbm4b:s25+s3], $0x3E8, $0x38;
	[tilespmem:$0x1E000] =	vst v63  }
0x6c: {  	s25 =	sadd.s32 $0x16E360, s14;
	s26 =	simm.s32 $0x15340  }
0x6d: {  	[tilespmem:s26], [sflag:$0x6] =	stream.linear.gather [hbm4b:s25+s3], $0x3E8, $0x38;
	[tilespmem:$0x1E000] =	vst v63  }
0x6e: {  	s25 =	sadd.s32 $0x18CBA8, s14;
	s26 =	simm.s32 $0x15730  }
0x6f: {  	[tilespmem:s26], [sflag:$0x6] =	stream.linear.gather [hbm4b:s25+s3], $0x3E8, $0x38;
	[tilespmem:$0x1E000] =	vst v63  }
0x70: {  	s25 =	sadd.s32 $0x1AB3F0, s14;
	s26 =	simm.s32 $0x15B20  }
0x71: {  	[tilespmem:s26], [sflag:$0x6] =	stream.linear.gather [hbm4b:s25+s3], $0x3E8, $0x38;
	[tilespmem:$0x1E000] =	vst v63  }
0x72: {  	s25 =	sadd.s32 $0x1C9C38, s14;
	s26 =	simm.s32 $0x15F10  }
0x73: {  	[tilespmem:s26], [sflag:$0x6] =	stream.linear.gather [hbm4b:s25+s3], $0x3E8, $0x38;
	[tilespmem:$0x1E000] =	vst v63  }
0x74: {  	_ =	swait.ge [sflag:s17], $0x3E80  }
0x75: {  	p1 =	seq.s32 s16, $0x0;
	p2 =	sne.s32 s16, $0x1D4C00;
	[sflag:s17] =	ssyncset.done $0x0  }
.Ltmp2:
0x76: {  	s0 =	simm.s32 @!p1 $0x7;
	[sflag:s17] =	ssyncadd.s32 $0xFFFFC180;
	(pc) =	sbr.rel @!p2 .LBB2_3-.Ltmp2, $4  }
0x77: {  	_ =	swait.ge @!p1 [sflag:s0], $0x3E80  }
0x78: {  	s26 =	sadd.s32 s6, s30;
	[sflag:s0] =	ssyncset.done @!p1 $0x0  }
0x79: {  	[sflag:s0] =	ssyncadd.s32 @!p1 $0xFFFFC180;
	s0 =	sadd.s32 s16, s26;
	s26 =	simm.s32 $0x16300  }
0x7a: {  	[hbm4b:s0+s3] =	stream.linear.scatter [tilespmem:s26], [sflag:$0x7], $0x3E80, $0x38;
	[tilespmem:$0x1E000] =	vst v63  }
0x7b: {  	s25 =	sshrl.u32 s15, $0x3  }
0x7c: {  	s25 =	sadd.s32 s29, s25  }
0x7d: {  	[tilespmem:s31], [sflag:$0x5] =	stream.linear.gather [hbm4b:s25+s3], $0x3E8, $0x38;
	[tilespmem:$0x1E000] =	vst v63  }
0x7e: {  	s23 =	simm.s32 $0xE8F0;
	s26 =	sadd.s32 $0x1E848, s25  }
0x7f: {  	[tilespmem:s23], [sflag:$0x5] =	stream.linear.gather [hbm4b:s26+s3], $0x3E8, $0x38;
	[tilespmem:$0x1E000] =	vst v63  }
0x80: {  	s26 =	sadd.s32 $0x3D090, s25;
	s23 =	simm.s32 $0xECE0  }
0x81: {  	[tilespmem:s23], [sflag:$0x5] =	stream.linear.gather [hbm4b:s26+s3], $0x3E8, $0x38;
	[tilespmem:$0x1E000] =	vst v63  }
0x82: {  	s26 =	sadd.s32 $0x5B8D8, s25;
	s23 =	simm.s32 $0xF0D0  }
0x83: {  	[tilespmem:s23], [sflag:$0x5] =	stream.linear.gather [hbm4b:s26+s3], $0x3E8, $0x38;
	[tilespmem:$0x1E000] =	vst v63  }
0x84: {  	s26 =	sadd.s32 $0x7A120, s25;
	s23 =	simm.s32 $0xF4C0  }
0x85: {  	[tilespmem:s23], [sflag:$0x5] =	stream.linear.gather [hbm4b:s26+s3], $0x3E8, $0x38;
	[tilespmem:$0x1E000] =	vst v63  }
0x86: {  	s26 =	sadd.s32 $0x98968, s25;
	s23 =	simm.s32 $0xF8B0  }
0x87: {  	[tilespmem:s23], [sflag:$0x5] =	stream.linear.gather [hbm4b:s26+s3], $0x3E8, $0x38;
	[tilespmem:$0x1E000] =	vst v63  }
0x88: {  	s26 =	sadd.s32 $0xB71B0, s25;
	s23 =	simm.s32 $0xFCA0  }
0x89: {  	[tilespmem:s23], [sflag:$0x5] =	stream.linear.gather [hbm4b:s26+s3], $0x3E8, $0x38;
	[tilespmem:$0x1E000] =	vst v63  }
0x8a: {  	s26 =	sadd.s32 $0xD59F8, s25;
	s23 =	simm.s32 $0x10090  }
0x8b: {  	[tilespmem:s23], [sflag:$0x5] =	stream.linear.gather [hbm4b:s26+s3], $0x3E8, $0x38;
	[tilespmem:$0x1E000] =	vst v63  }
0x8c: {  	s26 =	sadd.s32 $0xF4240, s25;
	s23 =	simm.s32 $0x10480  }
0x8d: {  	[tilespmem:s23], [sflag:$0x5] =	stream.linear.gather [hbm4b:s26+s3], $0x3E8, $0x38;
	[tilespmem:$0x1E000] =	vst v63  }
0x8e: {  	s26 =	sadd.s32 $0x112A88, s25;
	s23 =	simm.s32 $0x10870  }
0x8f: {  	[tilespmem:s23], [sflag:$0x5] =	stream.linear.gather [hbm4b:s26+s3], $0x3E8, $0x38;
	[tilespmem:$0x1E000] =	vst v63  }
0x90: {  	s26 =	sadd.s32 $0x1312D0, s25;
	s23 =	simm.s32 $0x10C60  }
0x91: {  	[tilespmem:s23], [sflag:$0x5] =	stream.linear.gather [hbm4b:s26+s3], $0x3E8, $0x38;
	[tilespmem:$0x1E000] =	vst v63  }
0x92: {  	s26 =	sadd.s32 $0x14FB18, s25;
	s23 =	simm.s32 $0x11050  }
0x93: {  	[tilespmem:s23], [sflag:$0x5] =	stream.linear.gather [hbm4b:s26+s3], $0x3E8, $0x38;
	[tilespmem:$0x1E000] =	vst v63  }
0x94: {  	s26 =	sadd.s32 $0x16E360, s25;
	s23 =	simm.s32 $0x11440  }
0x95: {  	[tilespmem:s23], [sflag:$0x5] =	stream.linear.gather [hbm4b:s26+s3], $0x3E8, $0x38;
	[tilespmem:$0x1E000] =	vst v63  }
0x96: {  	s26 =	sadd.s32 $0x18CBA8, s25;
	s23 =	simm.s32 $0x11830  }
0x97: {  	[tilespmem:s23], [sflag:$0x5] =	stream.linear.gather [hbm4b:s26+s3], $0x3E8, $0x38;
	[tilespmem:$0x1E000] =	vst v63  }
0x98: {  	s26 =	sadd.s32 $0x1AB3F0, s25;
	s23 =	simm.s32 $0x11C20  }
0x99: {  	[tilespmem:s23], [sflag:$0x5] =	stream.linear.gather [hbm4b:s26+s3], $0x3E8, $0x38;
	[tilespmem:$0x1E000] =	vst v63  }
0x9a: {  	s25 =	sadd.s32 $0x1C9C38, s25;
	s26 =	simm.s32 $0x12010  }
0x9b: {  	[tilespmem:s26], [sflag:$0x5] =	stream.linear.gather [hbm4b:s25+s3], $0x3E8, $0x38;
	[tilespmem:$0x1E000] =	vst v63  }
.Ltmp3:
0x9c: {  	_ = 	snop;
	(pc) =	sbr.rel @!p1 .LBB2_5-.Ltmp3, $4  }
.Ltmp4:
0x9d: {  	_ = 	snop;
	(pc) =	sbr.rel @p1 .LBB2_6-.Ltmp4, $4  }
0x9e: {  	_ =	swait.ge [sflag:s19], $0x3E80  }
0x9f: {  	[sflag:s19] =	ssyncset.done $0x0  }
0xa0: {  	s23 =	simm.s32 $0x12400;
	[sflag:s19] =	ssyncadd.s32 $0xFFFFC180  }
0xa1: {  	_ = 	snop  }
.LBB2_7:
0xa2: {  	s0 =	simm.s32 @!p0 $0x0;
	s14 =	simm.s32 @!p0 $0xE500;
	s16 =	rddreg [dreg:$0x5]  }
0xa3: {  	[tilespmem:s14], [sflag:$0x5] =	stream.linear.gather @!p0 [hbm4b:s16+s0], $0x3E8, $0x38;
	[tilespmem:$0x1E000] =	vst v63  }
0xa4: {  	s15 =	simm.s32 @!p0 $0xE8F0;
	s14 =	sadd.s32 @!p0 $0x1E848, s16  }
0xa5: {  	[tilespmem:s15], [sflag:$0x5] =	stream.linear.gather @!p0 [hbm4b:s14+s0], $0x3E8, $0x38;
	[tilespmem:$0x1E000] =	vst v63  }
0xa6: {  	s14 =	sadd.s32 @!p0 $0x3D090, s16;
	s15 =	simm.s32 @!p0 $0xECE0  }
0xa7: {  	[tilespmem:s15], [sflag:$0x5] =	stream.linear.gather @!p0 [hbm4b:s14+s0], $0x3E8, $0x38;
	[tilespmem:$0x1E000] =	vst v63  }
0xa8: {  	s14 =	sadd.s32 @!p0 $0x5B8D8, s16;
	s15 =	simm.s32 @!p0 $0xF0D0  }
0xa9: {  	[tilespmem:s15], [sflag:$0x5] =	stream.linear.gather @!p0 [hbm4b:s14+s0], $0x3E8, $0x38;
	[tilespmem:$0x1E000] =	vst v63  }
0xaa: {  	s14 =	sadd.s32 @!p0 $0x7A120, s16;
	s15 =	simm.s32 @!p0 $0xF4C0  }
0xab: {  	[tilespmem:s15], [sflag:$0x5] =	stream.linear.gather @!p0 [hbm4b:s14+s0], $0x3E8, $0x38;
	[tilespmem:$0x1E000] =	vst v63  }
0xac: {  	s14 =	sadd.s32 @!p0 $0x98968, s16;
	s15 =	simm.s32 @!p0 $0xF8B0  }
0xad: {  	[tilespmem:s15], [sflag:$0x5] =	stream.linear.gather @!p0 [hbm4b:s14+s0], $0x3E8, $0x38;
	[tilespmem:$0x1E000] =	vst v63  }
0xae: {  	s14 =	sadd.s32 @!p0 $0xB71B0, s16;
	s15 =	simm.s32 @!p0 $0xFCA0  }
0xaf: {  	[tilespmem:s15], [sflag:$0x5] =	stream.linear.gather @!p0 [hbm4b:s14+s0], $0x3E8, $0x38;
	[tilespmem:$0x1E000] =	vst v63  }
0xb0: {  	s14 =	sadd.s32 @!p0 $0xD59F8, s16;
	s15 =	simm.s32 @!p0 $0x10090  }
0xb1: {  	[tilespmem:s15], [sflag:$0x5] =	stream.linear.gather @!p0 [hbm4b:s14+s0], $0x3E8, $0x38;
	[tilespmem:$0x1E000] =	vst v63  }
0xb2: {  	s14 =	sadd.s32 @!p0 $0xF4240, s16;
	s15 =	simm.s32 @!p0 $0x10480  }
0xb3: {  	[tilespmem:s15], [sflag:$0x5] =	stream.linear.gather @!p0 [hbm4b:s14+s0], $0x3E8, $0x38;
	[tilespmem:$0x1E000] =	vst v63  }
0xb4: {  	s14 =	sadd.s32 @!p0 $0x112A88, s16;
	s15 =	simm.s32 @!p0 $0x10870  }
0xb5: {  	[tilespmem:s15], [sflag:$0x5] =	stream.linear.gather @!p0 [hbm4b:s14+s0], $0x3E8, $0x38;
	[tilespmem:$0x1E000] =	vst v63  }
0xb6: {  	s14 =	sadd.s32 @!p0 $0x1312D0, s16;
	s15 =	simm.s32 @!p0 $0x10C60  }
0xb7: {  	[tilespmem:s15], [sflag:$0x5] =	stream.linear.gather @!p0 [hbm4b:s14+s0], $0x3E8, $0x38;
	[tilespmem:$0x1E000] =	vst v63  }
0xb8: {  	s14 =	sadd.s32 @!p0 $0x14FB18, s16;
	s15 =	simm.s32 @!p0 $0x11050  }
0xb9: {  	[tilespmem:s15], [sflag:$0x5] =	stream.linear.gather @!p0 [hbm4b:s14+s0], $0x3E8, $0x38;
	[tilespmem:$0x1E000] =	vst v63  }
0xba: {  	s14 =	sadd.s32 @!p0 $0x16E360, s16;
	s15 =	simm.s32 @!p0 $0x11440  }
0xbb: {  	[tilespmem:s15], [sflag:$0x5] =	stream.linear.gather @!p0 [hbm4b:s14+s0], $0x3E8, $0x38;
	[tilespmem:$0x1E000] =	vst v63  }
0xbc: {  	s14 =	sadd.s32 @!p0 $0x18CBA8, s16;
	s15 =	simm.s32 @!p0 $0x11830  }
0xbd: {  	[tilespmem:s15], [sflag:$0x5] =	stream.linear.gather @!p0 [hbm4b:s14+s0], $0x3E8, $0x38;
	[tilespmem:$0x1E000] =	vst v63  }
0xbe: {  	s14 =	sadd.s32 @!p0 $0x1AB3F0, s16;
	s15 =	simm.s32 @!p0 $0x11C20  }
0xbf: {  	[tilespmem:s15], [sflag:$0x5] =	stream.linear.gather @!p0 [hbm4b:s14+s0], $0x3E8, $0x38;
	[tilespmem:$0x1E000] =	vst v63  }
0xc0: {  	s14 =	sadd.s32 @!p0 $0x1C9C38, s16;
	s15 =	simm.s32 @!p0 $0x12010  }
0xc1: {  	[tilespmem:s15], [sflag:$0x5] =	stream.linear.gather @!p0 [hbm4b:s14+s0], $0x3E8, $0x38;
	[tilespmem:$0x1E000] =	vst v63  }
0xc2: {  	s14 =	simm.s32 @!p0 $0x5  }
0xc3: {  	_ =	swait.ge @!p0 [sflag:s14], $0x3E80  }
0xc4: {  	[sflag:s14] =	ssyncset.done @!p0 $0x0  }
0xc5: {  	[sflag:s14] =	ssyncadd.s32 @!p0 $0xFFFFC180;
	s14 =	simm.s32 @!p0 $0x7  }
0xc6: {  	_ =	swait.ge @!p0 [sflag:s14], $0x3E80  }
0xc7: {  	s25 =	simm.s32 $0x7;
	[sflag:s14] =	ssyncset.done @!p0 $0x0  }
0xc8: {  	s15 =	rddreg [dreg:$0x18];
	[sflag:s14] =	ssyncadd.s32 @!p0 $0xFFFFC180;
	s14 =	simm.s32 @!p0 $0x16300  }
0xc9: {  	[hbm4b:s15+s0] =	stream.linear.scatter @!p0 [tilespmem:s14], [sflag:$0x7], $0x3E80, $0x38;
	[tilespmem:$0x1E000] =	vst v63  }
0xca: {  	_ =	swait.ge [sflag:s25], $0x3E80  }
0xcb: {  	[sflag:s25] =	ssyncset.done $0x0  }
0xcc: {  	[sflag:s25] =	ssyncadd.s32 $0xFFFFC180  }
0xcd: {  	_ =	swait.ge [sflag:s20], $0x3E80  }
0xce: {  	[sflag:s20] =	ssyncset.done $0x0  }
0xcf: {  	[sflag:s20] =	ssyncadd.s32 $0xFFFFC180  }
0xd0: {  	s29 =	simm.s32 $0x4000;
	[bflag:$0x0] =	sbarrier.arrive $0xFFFF  }
0xd1: {  	s30 =	simm.s32 $0x9;
	s14 =	simm.s32 $0x0;
	s26 =	rddreg [dreg:$0x6]  }
0xd2: {  	[tilespmem:s14], [sflag:$0x9] =	stream.strided.gather [hbm4b:s26+s22], $0x6400, s29, s22, $0x38;
	[tilespmem:$0x1E000] =	vst v63  }
0xd3: {  	_ =	swait.ge [sflag:s30], $0x6400  }
0xd4: {  	[sflag:s30] =	ssyncset.done $0x0  }
0xd5: {  	s31 =	simm.s32 $0x6400;
	s15 =	simm.s32 $0x0;
	[sflag:s30] =	ssyncadd.s32 $0xFFFF9C00  }
0xd6: {  	[tilespmem:s31], [sflag:$0x1] =	stream.indirect.gather [hbm4b:s6+s22], $0x10, s14, s22, $0xb8;
	[tilespmem:$0x1E000] =	vst v63  }
.LBB2_8:
0xd7: {  	p1 =	seq.s32 s15, $0x0  }
0xd8: {  	s0 =	sshll.u32 s15, $0x1;
	s26 =	simm.s32 $0x1;
	s29 =	simm.s32 $0x2  }
0xd9: {  	v9 =	vmov s14;
	s30 =	simm.s32 $0x3;
	s31 =	simm.s32 $0x4;
	s25 =	simm.s32 @!p1 $0x3  }
0xda: {  	s16 =	sor.u32 $0x1, s0;
	v9 =	vshrl.u32 v9, $0x3;
	v11 =	vmov s29;
	s29 =	simm.s32 $0x5;
	_ =	swait.ge @!p1 [sflag:s25], $0x2000  }
0xdb: {  	v10 =	vmov s26;
	v12 =	vmov s30;
	s30 =	simm.s32 $0x7;
	v13 =	vmov s31;
	s0 =	sshll.u32 s16, $0x9;
	[sflag:s25] =	ssyncset.done @!p1 $0x0  }
0xdc: {  	s31 =	simm.s32 $0x8400;
	v14 =	vmov s29;
	v15 =	vmov s30;
	v9 =	vshll.u32 v9, v1;
	s0 =	sand.u32 $0x3FFFFE00, s0;
	[sflag:s25] =	ssyncadd.s32 @!p1 $0xFFFFE000  }
0xdd: {  	v10 =	vshrl.u32 v10, $0x3;
	v11 =	vshrl.u32 v11, $0x3;
	v15 =	vshrl.u32 v15, $0x3;
	[tilespmem:s31], [sflag:$0x2] =	stream.indirect.gather [hbm4b:s6+s22], $0x10, s0, s22, $0xb8;
	[tilespmem:$0x1E000] =	vst v63  }
0xde: {  	v12 =	vshrl.u32 v12, $0x3;
	v13 =	vshrl.u32 v13, $0x3;
	v15 =	vshll.u32 v15, v1;
	_ =	swait.ge [sflag:s7], $0x2000  }
0xdf: {  	v14 =	vshrl.u32 v14, $0x3;
	v9 =	vbroadcast v9, $0x0;
	s25 =	simm.s32 $0x6;
	v15 =	vbroadcast v15, $0x0;
	[sflag:s7] =	ssyncset.done $0x0  }
0xe0: {  	v10 =	vshll.u32 v10, v1;
	v11 =	vshll.u32 v11, v1;
	v16 =	vmov s25;
	s25 =	simm.s32 $0x6440;
	[sflag:s7] =	ssyncadd.s32 $0xFFFFE000  }
0xe1: {  	v10 =	vbroadcast v10, $0x0;
	v19 =	vadd.s32 v0, v9;
	v15 =	vadd.s32 v8, v15;
	v17 =	vld [tilespmem:s25+$0x30]  }
0xe2: {  	v9 =	vbroadcast v11, $0x0;
	v11 =	vshll.u32 v12, v1;
	v12 =	vshrl.u32 v16, $0x3;
	v18 =	vld [tilespmem:s25+$0xFFFFFFC0]  }
0xe3: {  	v20 =	vadd.s32 v2, v10;
	v10 =	vbroadcast v11, $0x0;
	v11 =	vshll.u32 v13, v1;
	v16 =	vld [tilespmem:s25+$0xFFFFFFD0]  }
0xe4: {  	v13 =	vshll.u32 v14, v1;
	v23 =	vadd.s32 v3, v9;
	v11 =	vbroadcast v11, $0x0;
	v22 =	vld [tilespmem:s25+$0xFFFFFFE0]  }
0xe5: {  	v14 =	vbroadcast v13, $0x0;
	v13 =	vshll.u32 v12, v1;
	v12 =	vadd.s32 v4, v10;
	v9 =	vld [tilespmem:s25+$0xFFFFFFF0]  }
0xe6: {  	s31 =	simm.s32 $0x8;
	v21 =	vbroadcast v13, $0x0;
	v10 =	vld [tilespmem:s25+$0x0];
	v11 =	vadd.s32 v5, v11;
	[tilespmem:v15+s28+$0x0] =	vst.idx.msk $0xffff, v17  }
0xe7: {  	s26 =	simm.s32 $0x9;
	s29 =	simm.s32 $0xA;
	v13 =	vld [tilespmem:s25+$0x10];
	v14 =	vadd.s32 v6, v14;
	v15 =	vmov s31;
	[tilespmem:v19+s28+$0x0] =	vst.idx.msk $0xffff, v18  }
0xe8: {  	s30 =	simm.s32 $0xC;
	s0 =	simm.s32 $0x10;
	v18 =	vmov s26;
	s31 =	simm.s32 $0xB;
	[tilespmem:v20+s28+$0x0] =	vst.idx.msk $0xffff, v16;
	v16 =	vadd.s32 v7, v21;
	v17 =	vshrl.u32 v15, $0x3;
	v15 =	vld [tilespmem:s25+$0x20]  }
0xe9: {  	s26 =	simm.s32 $0xD;
	v20 =	vmov s29;
	v19 =	vmov s30;
	s29 =	simm.s32 $0xE;
	s30 =	simm.s32 $0xF;
	[tilespmem:v23+s28+$0x0] =	vst.idx.msk $0xffff, v22;
	v21 =	vmov s31  }
.LBB2_9:
0xea: {  	p2 =	slt.u32 s0, $0x1F8;
	v22 =	vmov s26;
	v23 =	vmov s29;
	v24 =	vmov s30;
	[tilespmem:v12+s28+$0x0] =	vst.idx.msk $0xffff, v9  }
0xeb: {  	v9 =	vshll.u32 v17, v1;
	v12 =	vshrl.u32 v18, $0x3;
	v17 =	vshrl.u32 v24, $0x3;
	[tilespmem:v11+s28+$0x0] =	vst.idx.msk $0xffff, v10  }
0xec: {  	v10 =	vshrl.u32 v20, $0x3;
	v11 =	vshrl.u32 v21, $0x3;
	v17 =	vshll.u32 v17, v1;
	[tilespmem:v14+s28+$0x0] =	vst.idx.msk $0xffff, v13  }
0xed: {  	v13 =	vshrl.u32 v19, $0x3;
	v14 =	vshrl.u32 v22, $0x3;
	v17 =	vbroadcast v17, $0x0;
	[tilespmem:v16+s28+$0x0] =	vst.idx.msk $0xffff, v15  }
0xee: {  	s25 =	sadd.s32 $0x80, s25;
	v9 =	vbroadcast v9, $0x0;
	v12 =	vshll.u32 v12, v1;
	v15 =	vshrl.u32 v23, $0x3  }
0xef: {  	v12 =	vbroadcast v12, $0x0;
	v10 =	vshll.u32 v10, v1;
	v16 =	vld [tilespmem:s25+$0x30];
	v17 =	vadd.s32 v8, v17  }
0xf0: {  	v19 =	vadd.s32 v0, v9;
	v9 =	vbroadcast v10, $0x0;
	v10 =	vshll.u32 v11, v1;
	v18 =	vld [tilespmem:s25+$0xFFFFFFC0]  }
0xf1: {  	v11 =	vshll.u32 v13, v1;
	v21 =	vadd.s32 v2, v12;
	v10 =	vbroadcast v10, $0x0;
	v20 =	vld [tilespmem:s25+$0xFFFFFFD0]  }
0xf2: {  	v13 =	vshll.u32 v14, v1;
	v11 =	vbroadcast v11, $0x0;
	v23 =	vadd.s32 v3, v9;
	v22 =	vld [tilespmem:s25+$0xFFFFFFE0]  }
.Ltmp5:
0xf3: {  	v14 =	vbroadcast v13, $0x0;
	v13 =	vshll.u32 v15, v1;
	v12 =	vadd.s32 v4, v10;
	v9 =	vld [tilespmem:s25+$0xFFFFFFF0];
	(pc) =	sbr.rel @p2 .LBB2_9-.Ltmp5, $4  }
0xf4: {  	v24 =	vbroadcast v13, $0x0;
	v11 =	vadd.s32 v5, v11;
	v10 =	vld [tilespmem:s25+$0x0];
	[tilespmem:v17+s28+$0x0] =	vst.idx.msk $0xffff, v16  }
0xf5: {  	s26 =	sadd.s32 $0x1, s0;
	s29 =	sadd.s32 $0x2, s0;
	v15 =	vmov s0;
	v14 =	vadd.s32 v6, v14;
	[tilespmem:v19+s28+$0x0] =	vst.idx.msk $0xffff, v18;
	v13 =	vld [tilespmem:s25+$0x10]  }
0xf6: {  	s30 =	sadd.s32 $0x3, s0;
	s31 =	sadd.s32 $0x4, s0;
	v17 =	vshrl.u32 v15, $0x3;
	v16 =	vadd.s32 v7, v24;
	v18 =	vmov s26;
	s26 =	sadd.s32 $0x5, s0;
	[tilespmem:v21+s28+$0x0] =	vst.idx.msk $0xffff, v20;
	v15 =	vld [tilespmem:s25+$0x20]  }
0xf7: {  	v19 =	vmov s31;
	v20 =	vmov s29;
	v21 =	vmov s30;
	s29 =	sadd.s32 $0x6, s0;
	s30 =	sadd.s32 $0x7, s0;
	s0 =	sadd.s32 $0x8, s0;
	[tilespmem:v23+s28+$0x0] =	vst.idx.msk $0xffff, v22  }
0xf8: {  	v22 =	vmov s26;
	v23 =	vmov s29;
	v24 =	vmov s30  }
0xf9: {  	v17 =	vshll.u32 v17, v1;
	v18 =	vshrl.u32 v18, $0x3;
	v20 =	vshrl.u32 v20, $0x3  }
0xfa: {  	v21 =	vshrl.u32 v21, $0x3;
	v19 =	vshrl.u32 v19, $0x3;
	v24 =	vshrl.u32 v24, $0x3  }
0xfb: {  	v22 =	vshrl.u32 v22, $0x3;
	v17 =	vbroadcast v17, $0x0;
	v18 =	vshll.u32 v18, v1  }
0xfc: {  	s0 =	sadd.s32 $0x80, s25;
	v23 =	vshrl.u32 v23, $0x3;
	v24 =	vshll.u32 v24, v1;
	v18 =	vbroadcast v18, $0x0  }
0xfd: {  	[tilespmem:v12+s28+$0x0] =	vst.idx.msk $0xffff, v9;
	v20 =	vshll.u32 v20, v1;
	v9 =	vld [tilespmem:s0+$0xFFFFFFC0];
	v24 =	vbroadcast v24, $0x0;
	v12 =	vadd.s32 v0, v17  }
0xfe: {  	[tilespmem:v11+s28+$0x0] =	vst.idx.msk $0xffff, v10;
	v10 =	vld [tilespmem:s0+$0xFFFFFFD0];
	v17 =	vbroadcast v20, $0x0;
	v20 =	vshll.u32 v21, v1;
	v11 =	vadd.s32 v2, v18  }
0xff: {  	v25 =	vld [tilespmem:s0+$0x30];
	v19 =	vshll.u32 v19, v1;
	v18 =	vbroadcast v20, $0x0;
	v24 =	vadd.s32 v8, v24  }
0x100: {  	[tilespmem:v14+s28+$0x0] =	vst.idx.msk $0xffff, v13;
	v13 =	vld [tilespmem:s0+$0xFFFFFFE0];
	v14 =	vadd.s32 v3, v17;
	v17 =	vbroadcast v19, $0x0;
	v19 =	vshll.u32 v22, v1  }
0x101: {  	[tilespmem:v16+s28+$0x0] =	vst.idx.msk $0xffff, v15;
	v15 =	vld [tilespmem:s0+$0xFFFFFFF0];
	v16 =	vadd.s32 v4, v18;
	v18 =	vbroadcast v19, $0x0;
	v19 =	vshll.u32 v23, v1  }
0x102: {  	v20 =	vld [tilespmem:s0+$0x0];
	v17 =	vadd.s32 v5, v17;
	v19 =	vbroadcast v19, $0x0;
	[tilespmem:v12+s28+$0x0] =	vst.idx.msk $0xffff, v9  }
0x103: {  	v9 =	vld [tilespmem:s0+$0x10];
	v12 =	vadd.s32 v6, v18;
	[tilespmem:v11+s28+$0x0] =	vst.idx.msk $0xffff, v10  }
0x104: {  	v10 =	vld [tilespmem:s0+$0x20];
	v11 =	vadd.s32 v7, v19;
	[tilespmem:v24+s28+$0x0] =	vst.idx.msk $0xffff, v25  }
0x105: {  	[tilespmem:v14+s28+$0x0] =	vst.idx.msk $0xffff, v13  }
0x106: {  	[tilespmem:v16+s28+$0x0] =	vst.idx.msk $0xffff, v15  }
0x107: {  	s25 =	sshll.u32 s15, $0x11;
	[tilespmem:v17+s28+$0x0] =	vst.idx.msk $0xffff, v20  }
0x108: {  	s0 =	sadd.s32 s4, s25;
	[tilespmem:v12+s28+$0x0] =	vst.idx.msk $0xffff, v9  }
0x109: {  	s0 =	sadd.s32 s9, s0;
	[tilespmem:v11+s28+$0x0] =	vst.idx.msk $0xffff, v10  }
0x10a: {  	[hbm4b:s0+s3] =	stream.linear.scatter [tilespmem:s28], [sflag:$0x3], $0x200, $0x38;
	[tilespmem:$0x1E000] =	vst v63  }
0x10b: {  	s31 =	simm.s32 $0xA608;
	s26 =	sadd.s32 $0x800, s0  }
0x10c: {  	[hbm4b:s26+s3] =	stream.linear.scatter [tilespmem:s31], [sflag:$0x3], $0x200, $0x38;
	[tilespmem:$0x1E000] =	vst v63  }
0x10d: {  	s26 =	sadd.s32 $0x1000, s0;
	s31 =	simm.s32 $0xA810  }
0x10e: {  	[hbm4b:s26+s3] =	stream.linear.scatter [tilespmem:s31], [sflag:$0x3], $0x200, $0x38;
	[tilespmem:$0x1E000] =	vst v63  }
0x10f: {  	s26 =	sadd.s32 $0x1800, s0;
	s31 =	simm.s32 $0xAA18  }
0x110: {  	[hbm4b:s26+s3] =	stream.linear.scatter [tilespmem:s31], [sflag:$0x3], $0x200, $0x38;
	[tilespmem:$0x1E000] =	vst v63  }
0x111: {  	s26 =	sadd.s32 $0x2000, s0;
	s31 =	simm.s32 $0xAC20  }
0x112: {  	[hbm4b:s26+s3] =	stream.linear.scatter [tilespmem:s31], [sflag:$0x3], $0x200, $0x38;
	[tilespmem:$0x1E000] =	vst v63  }
0x113: {  	s26 =	sadd.s32 $0x2800, s0;
	s31 =	simm.s32 $0xAE28  }
0x114: {  	[hbm4b:s26+s3] =	stream.linear.scatter [tilespmem:s31], [sflag:$0x3], $0x200, $0x38;
	[tilespmem:$0x1E000] =	vst v63  }
0x115: {  	s26 =	sadd.s32 $0x3000, s0;
	s31 =	simm.s32 $0xB030  }
0x116: {  	[hbm4b:s26+s3] =	stream.linear.scatter [tilespmem:s31], [sflag:$0x3], $0x200, $0x38;
	[tilespmem:$0x1E000] =	vst v63  }
0x117: {  	s26 =	sadd.s32 $0x3800, s0;
	s31 =	simm.s32 $0xB238  }
0x118: {  	[hbm4b:s26+s3] =	stream.linear.scatter [tilespmem:s31], [sflag:$0x3], $0x200, $0x38;
	[tilespmem:$0x1E000] =	vst v63  }
0x119: {  	s26 =	sadd.s32 $0x4000, s0;
	s31 =	simm.s32 $0xB440  }
0x11a: {  	[hbm4b:s26+s3] =	stream.linear.scatter [tilespmem:s31], [sflag:$0x3], $0x200, $0x38;
	[tilespmem:$0x1E000] =	vst v63  }
0x11b: {  	s26 =	sadd.s32 $0x4800, s0;
	s31 =	simm.s32 $0xB648  }
0x11c: {  	[hbm4b:s26+s3] =	stream.linear.scatter [tilespmem:s31], [sflag:$0x3], $0x200, $0x38;
	[tilespmem:$0x1E000] =	vst v63  }
0x11d: {  	s26 =	sadd.s32 $0x5000, s0;
	s31 =	simm.s32 $0xB850  }
0x11e: {  	[hbm4b:s26+s3] =	stream.linear.scatter [tilespmem:s31], [sflag:$0x3], $0x200, $0x38;
	[tilespmem:$0x1E000] =	vst v63  }
0x11f: {  	s26 =	sadd.s32 $0x5800, s0;
	s31 =	simm.s32 $0xBA58  }
0x120: {  	[hbm4b:s26+s3] =	stream.linear.scatter [tilespmem:s31], [sflag:$0x3], $0x200, $0x38;
	[tilespmem:$0x1E000] =	vst v63  }
0x121: {  	s26 =	sadd.s32 $0x6000, s0;
	s31 =	simm.s32 $0xBC60  }
0x122: {  	[hbm4b:s26+s3] =	stream.linear.scatter [tilespmem:s31], [sflag:$0x3], $0x200, $0x38;
	[tilespmem:$0x1E000] =	vst v63  }
0x123: {  	s26 =	sadd.s32 $0x6800, s0;
	s31 =	simm.s32 $0xBE68  }
0x124: {  	[hbm4b:s26+s3] =	stream.linear.scatter [tilespmem:s31], [sflag:$0x3], $0x200, $0x38;
	[tilespmem:$0x1E000] =	vst v63  }
0x125: {  	s26 =	sadd.s32 $0x7000, s0;
	s31 =	simm.s32 $0xC070  }
0x126: {  	[hbm4b:s26+s3] =	stream.linear.scatter [tilespmem:s31], [sflag:$0x3], $0x200, $0x38;
	[tilespmem:$0x1E000] =	vst v63  }
0x127: {  	s0 =	sadd.s32 $0x7800, s0;
	s26 =	simm.s32 $0xC278  }
0x128: {  	[hbm4b:s0+s3] =	stream.linear.scatter [tilespmem:s26], [sflag:$0x3], $0x200, $0x38;
	[tilespmem:$0x1E000] =	vst v63  }
0x129: {  	p2 =	seq.s32 @!p1 s15, $0x18;
	s0 =	simm.s32 @!p1 $0x4  }
0x12a: {  	p2 =	por p1, !p2;
	_ =	swait.ge @!p1 [sflag:s0], $0x2000  }
0x12b: {  	s29 =	simm.s32 $0x5;
	s25 =	simm.s32 @p2 $0x6400;
	[sflag:s0] =	ssyncset.done @!p1 $0x0  }
0x12c: {  	v14 =	vmov s29;
	s31 =	simm.s32 $0x0;
	[sflag:s0] =	ssyncadd.s32 @!p1 $0xFFFFE000;
	s0 =	sshll.u32 @p2 s15, $0xA  }
0x12d: {  	v14 =	vshrl.u32 v14, $0x3;
	v9 =	vmov s31;
	s31 =	simm.s32 $0x3;
	s26 =	simm.s32 $0x2;
	s0 =	sand.u32 @p2 $0x3FFFFC00, s0  }
0x12e: {  	v9 =	vshrl.u32 v9, $0x3;
	v12 =	vmov s31;
	s31 =	simm.s32 $0x7;
	v11 =	vmov s26;
	s26 =	simm.s32 $0x6;
	s0 =	sadd.s32 @p2 $0x400, s0  }
0x12f: {  	v15 =	vmov s31;
	v9 =	vshll.u32 v9, v1;
	v12 =	vshrl.u32 v12, $0x3;
	[tilespmem:s25], [sflag:$0x1] =	stream.indirect.gather @p2 [hbm4b:s6+s22], $0x10, s0, s22, $0xb8;
	[tilespmem:$0x1E000] =	vst v63  }
0x130: {  	v16 =	vmov s26;
	v15 =	vshrl.u32 v15, $0x3;
	v11 =	vshrl.u32 v11, $0x3;
	s25 =	simm.s32 $0x1  }
0x131: {  	v9 =	vbroadcast v9, $0x0;
	v15 =	vshll.u32 v15, v1;
	v10 =	vmov s25;
	_ =	swait.ge [sflag:s18], $0x2000  }
0x132: {  	v11 =	vshll.u32 v11, v1;
	v15 =	vbroadcast v15, $0x0;
	v10 =	vshrl.u32 v10, $0x3;
	[sflag:s18] =	ssyncset.done $0x0  }
0x133: {  	v19 =	vadd.s32 v0, v9;
	v9 =	vbroadcast v11, $0x0;
	s0 =	simm.s32 $0x4;
	s25 =	simm.s32 $0x8440;
	[sflag:s18] =	ssyncadd.s32 $0xFFFFE000;
	v10 =	vshll.u32 v10, v1  }
0x134: {  	v15 =	vadd.s32 v8, v15;
	v13 =	vmov s0;
	v10 =	vbroadcast v10, $0x0;
	v17 =	vld [tilespmem:s25+$0x30]  }
0x135: {  	v11 =	vshll.u32 v12, v1;
	v12 =	vshrl.u32 v16, $0x3;
	v13 =	vshrl.u32 v13, $0x3;
	v18 =	vld [tilespmem:s25+$0xFFFFFFC0]  }
0x136: {  	v16 =	vld [tilespmem:s25+$0xFFFFFFD0];
	v20 =	vadd.s32 v2, v10;
	v10 =	vbroadcast v11, $0x0;
	v11 =	vshll.u32 v13, v1  }
0x137: {  	v23 =	vadd.s32 v3, v9;
	v22 =	vld [tilespmem:s25+$0xFFFFFFE0];
	v13 =	vshll.u32 v14, v1;
	v11 =	vbroadcast v11, $0x0  }
0x138: {  	v9 =	vld [tilespmem:s25+$0xFFFFFFF0];
	v14 =	vbroadcast v13, $0x0;
	v13 =	vshll.u32 v12, v1;
	v12 =	vadd.s32 v4, v10  }
0x139: {  	s31 =	simm.s32 $0x8;
	v10 =	vld [tilespmem:s25+$0x0];
	v21 =	vbroadcast v13, $0x0;
	[tilespmem:v15+s21+$0x0] =	vst.idx.msk $0xffff, v17;
	v11 =	vadd.s32 v5, v11  }
0x13a: {  	s30 =	simm.s32 $0xC;
	s26 =	simm.s32 $0x9;
	v13 =	vld [tilespmem:s25+$0x10];
	v15 =	vmov s31;
	[tilespmem:v19+s21+$0x0] =	vst.idx.msk $0xffff, v18;
	v14 =	vadd.s32 v6, v14  }
0x13b: {  	s29 =	simm.s32 $0xA;
	s0 =	simm.s32 $0x10;
	v18 =	vmov s26;
	s31 =	simm.s32 $0xB;
	v17 =	vshrl.u32 v15, $0x3;
	v15 =	vld [tilespmem:s25+$0x20];
	[tilespmem:v20+s21+$0x0] =	vst.idx.msk $0xffff, v16;
	v16 =	vadd.s32 v7, v21  }
0x13c: {  	s26 =	simm.s32 $0xD;
	v19 =	vmov s30;
	s30 =	simm.s32 $0xF;
	[tilespmem:v23+s21+$0x0] =	vst.idx.msk $0xffff, v22;
	v20 =	vmov s29;
	v21 =	vmov s31;
	s29 =	simm.s32 $0xE  }
.LBB2_11:
0x13d: {  	p1 =	slt.u32 s0, $0x1F8;
	v22 =	vmov s26;
	v23 =	vmov s29;
	v24 =	vmov s30;
	[tilespmem:v12+s21+$0x0] =	vst.idx.msk $0xffff, v9  }
0x13e: {  	v9 =	vshll.u32 v17, v1;
	v12 =	vshrl.u32 v18, $0x3;
	v17 =	vshrl.u32 v24, $0x3;
	[tilespmem:v11+s21+$0x0] =	vst.idx.msk $0xffff, v10  }
0x13f: {  	v10 =	vshrl.u32 v20, $0x3;
	v11 =	vshrl.u32 v21, $0x3;
	v17 =	vshll.u32 v17, v1;
	[tilespmem:v14+s21+$0x0] =	vst.idx.msk $0xffff, v13  }
0x140: {  	v13 =	vshrl.u32 v19, $0x3;
	v14 =	vshrl.u32 v22, $0x3;
	v17 =	vbroadcast v17, $0x0;
	[tilespmem:v16+s21+$0x0] =	vst.idx.msk $0xffff, v15  }
0x141: {  	s25 =	sadd.s32 $0x80, s25;
	v9 =	vbroadcast v9, $0x0;
	v12 =	vshll.u32 v12, v1;
	v15 =	vshrl.u32 v23, $0x3  }
0x142: {  	v12 =	vbroadcast v12, $0x0;
	v10 =	vshll.u32 v10, v1;
	v16 =	vld [tilespmem:s25+$0x30];
	v17 =	vadd.s32 v8, v17  }
0x143: {  	v19 =	vadd.s32 v0, v9;
	v9 =	vbroadcast v10, $0x0;
	v10 =	vshll.u32 v11, v1;
	v18 =	vld [tilespmem:s25+$0xFFFFFFC0]  }
0x144: {  	v11 =	vshll.u32 v13, v1;
	v21 =	vadd.s32 v2, v12;
	v10 =	vbroadcast v10, $0x0;
	v20 =	vld [tilespmem:s25+$0xFFFFFFD0]  }
0x145: {  	v13 =	vshll.u32 v14, v1;
	v11 =	vbroadcast v11, $0x0;
	v23 =	vadd.s32 v3, v9;
	v22 =	vld [tilespmem:s25+$0xFFFFFFE0]  }
.Ltmp6:
0x146: {  	v14 =	vbroadcast v13, $0x0;
	v13 =	vshll.u32 v15, v1;
	v12 =	vadd.s32 v4, v10;
	v9 =	vld [tilespmem:s25+$0xFFFFFFF0];
	(pc) =	sbr.rel @p1 .LBB2_11-.Ltmp6, $4  }
0x147: {  	v24 =	vbroadcast v13, $0x0;
	v11 =	vadd.s32 v5, v11;
	v10 =	vld [tilespmem:s25+$0x0];
	[tilespmem:v17+s21+$0x0] =	vst.idx.msk $0xffff, v16  }
0x148: {  	s26 =	sadd.s32 $0x1, s0;
	s29 =	sadd.s32 $0x2, s0;
	v15 =	vmov s0;
	v14 =	vadd.s32 v6, v14;
	[tilespmem:v19+s21+$0x0] =	vst.idx.msk $0xffff, v18;
	v13 =	vld [tilespmem:s25+$0x10]  }
0x149: {  	s30 =	sadd.s32 $0x3, s0;
	s31 =	sadd.s32 $0x4, s0;
	v17 =	vshrl.u32 v15, $0x3;
	v16 =	vadd.s32 v7, v24;
	v18 =	vmov s26;
	s26 =	sadd.s32 $0x5, s0;
	[tilespmem:v21+s21+$0x0] =	vst.idx.msk $0xffff, v20;
	v15 =	vld [tilespmem:s25+$0x20]  }
0x14a: {  	v19 =	vmov s31;
	v20 =	vmov s29;
	v21 =	vmov s30;
	s29 =	sadd.s32 $0x6, s0;
	s30 =	sadd.s32 $0x7, s0;
	s0 =	sadd.s32 $0x8, s0;
	[tilespmem:v23+s21+$0x0] =	vst.idx.msk $0xffff, v22  }
0x14b: {  	v22 =	vmov s26;
	v23 =	vmov s29;
	v24 =	vmov s30  }
0x14c: {  	v17 =	vshll.u32 v17, v1;
	v18 =	vshrl.u32 v18, $0x3;
	v20 =	vshrl.u32 v20, $0x3  }
0x14d: {  	v21 =	vshrl.u32 v21, $0x3;
	v19 =	vshrl.u32 v19, $0x3;
	v24 =	vshrl.u32 v24, $0x3  }
0x14e: {  	v22 =	vshrl.u32 v22, $0x3;
	v17 =	vbroadcast v17, $0x0;
	v18 =	vshll.u32 v18, v1  }
0x14f: {  	s0 =	sadd.s32 $0x80, s25;
	v23 =	vshrl.u32 v23, $0x3;
	v20 =	vshll.u32 v20, v1;
	v18 =	vbroadcast v18, $0x0  }
0x150: {  	[tilespmem:v12+s21+$0x0] =	vst.idx.msk $0xffff, v9;
	v9 =	vld [tilespmem:s0+$0xFFFFFFC0];
	v52 =	vshll.u32 v21, v1;
	v51 =	vbroadcast v20, $0x0;
	v50 =	vadd.s32 v0, v17  }
0x151: {  	[tilespmem:v11+s21+$0x0] =	vst.idx.msk $0xffff, v10;
	v10 =	vld [tilespmem:s0+$0xFFFFFFD0];
	v19 =	vshll.u32 v19, v1;
	v53 =	vbroadcast v52, $0x0;
	v11 =	vadd.s32 v2, v18  }
0x152: {  	v54 =	vld [tilespmem:s0+$0xFFFFFFE0];
	v24 =	vshll.u32 v24, v1;
	v56 =	vbroadcast v19, $0x0;
	v55 =	vadd.s32 v3, v51  }
0x153: {  	v58 =	vld [tilespmem:s0+$0xFFFFFFF0];
	[tilespmem:v14+s21+$0x0] =	vst.idx.msk $0xffff, v13;
	v57 =	vshll.u32 v22, v1;
	v24 =	vbroadcast v24, $0x0;
	v59 =	vadd.s32 v4, v53  }
0x154: {  	v62 =	vld [tilespmem:s0+$0x0];
	v61 =	vshll.u32 v23, v1;
	[tilespmem:v16+s21+$0x0] =	vst.idx.msk $0xffff, v15;
	v60 =	vbroadcast v57, $0x0;
	v17 =	vadd.s32 v5, v56  }
0x155: {  	v25 =	vld [tilespmem:s0+$0x30];
	v19 =	vbroadcast v61, $0x0;
	v24 =	vadd.s32 v8, v24;
	[tilespmem:v50+s21+$0x0] =	vst.idx.msk $0xffff, v9  }
0x156: {  	v63 =	vadd.s32 v6, v60;
	v9 =	vld [tilespmem:s0+$0x10];
	[tilespmem:v11+s21+$0x0] =	vst.idx.msk $0xffff, v10  }
0x157: {  	v10 =	vld [tilespmem:s0+$0x20];
	v11 =	vadd.s32 v7, v19;
	[tilespmem:v55+s21+$0x0] =	vst.idx.msk $0xffff, v54  }
0x158: {  	[tilespmem:v59+s21+$0x0] =	vst.idx.msk $0xffff, v58  }
0x159: {  	[tilespmem:v17+s21+$0x0] =	vst.idx.msk $0xffff, v62  }
0x15a: {  	s25 =	sshll.u32 s16, $0x10;
	[tilespmem:v24+s21+$0x0] =	vst.idx.msk $0xffff, v25  }
0x15b: {  	s0 =	sadd.s32 s4, s25;
	[tilespmem:v63+s21+$0x0] =	vst.idx.msk $0xffff, v9  }
0x15c: {  	s0 =	sadd.s32 s9, s0;
	[tilespmem:v11+s21+$0x0] =	vst.idx.msk $0xffff, v10  }
0x15d: {  	[hbm4b:s0+s3] =	stream.linear.scatter [tilespmem:s21], [sflag:$0x4], $0x200, $0x38;
	[tilespmem:$0x1E000] =	vst v63  }
0x15e: {  	s29 =	simm.s32 $0xC688;
	s26 =	sadd.s32 $0x800, s0  }
0x15f: {  	[hbm4b:s26+s3] =	stream.linear.scatter [tilespmem:s29], [sflag:$0x4], $0x200, $0x38;
	[tilespmem:$0x1E000] =	vst v63  }
0x160: {  	s31 =	simm.s32 $0xC890;
	s30 =	sadd.s32 $0x1000, s0  }
0x161: {  	[hbm4b:s30+s3] =	stream.linear.scatter [tilespmem:s31], [sflag:$0x4], $0x200, $0x38;
	[tilespmem:$0x1E000] =	vst v63  }
0x162: {  	s26 =	sadd.s32 $0x1800, s0;
	s29 =	simm.s32 $0xCA98  }
0x163: {  	[hbm4b:s26+s3] =	stream.linear.scatter [tilespmem:s29], [sflag:$0x4], $0x200, $0x38;
	[tilespmem:$0x1E000] =	vst v63  }
0x164: {  	s30 =	sadd.s32 $0x2000, s0;
	s31 =	simm.s32 $0xCCA0  }
0x165: {  	[hbm4b:s30+s3] =	stream.linear.scatter [tilespmem:s31], [sflag:$0x4], $0x200, $0x38;
	[tilespmem:$0x1E000] =	vst v63  }
0x166: {  	s26 =	sadd.s32 $0x2800, s0;
	s29 =	simm.s32 $0xCEA8  }
0x167: {  	[hbm4b:s26+s3] =	stream.linear.scatter [tilespmem:s29], [sflag:$0x4], $0x200, $0x38;
	[tilespmem:$0x1E000] =	vst v63  }
0x168: {  	s30 =	sadd.s32 $0x3000, s0;
	s31 =	simm.s32 $0xD0B0  }
0x169: {  	[hbm4b:s30+s3] =	stream.linear.scatter [tilespmem:s31], [sflag:$0x4], $0x200, $0x38;
	[tilespmem:$0x1E000] =	vst v63  }
0x16a: {  	s26 =	sadd.s32 $0x3800, s0;
	s29 =	simm.s32 $0xD2B8  }
0x16b: {  	[hbm4b:s26+s3] =	stream.linear.scatter [tilespmem:s29], [sflag:$0x4], $0x200, $0x38;
	[tilespmem:$0x1E000] =	vst v63  }
0x16c: {  	s30 =	sadd.s32 $0x4000, s0  }
0x16d: {  	[hbm4b:s30+s3] =	stream.linear.scatter [tilespmem:s24], [sflag:$0x4], $0x200, $0x38;
	[tilespmem:$0x1E000] =	vst v63  }
0x16e: {  	s31 =	sadd.s32 $0x4800, s0  }
0x16f: {  	[hbm4b:s31+s3] =	stream.linear.scatter [tilespmem:s5], [sflag:$0x4], $0x200, $0x38;
	[tilespmem:$0x1E000] =	vst v63  }
0x170: {  	s25 =	sadd.s32 $0x5000, s0  }
0x171: {  	[hbm4b:s25+s3] =	stream.linear.scatter [tilespmem:s1], [sflag:$0x4], $0x200, $0x38;
	[tilespmem:$0x1E000] =	vst v63  }
0x172: {  	s26 =	sadd.s32 $0x5800, s0  }
0x173: {  	[hbm4b:s26+s3] =	stream.linear.scatter [tilespmem:s2], [sflag:$0x4], $0x200, $0x38;
	[tilespmem:$0x1E000] =	vst v63  }
0x174: {  	s15 =	sadd.s32 $0x1, s15;
	s29 =	sadd.s32 $0x6000, s0  }
0x175: {  	[hbm4b:s29+s3] =	stream.linear.scatter [tilespmem:s8], [sflag:$0x4], $0x200, $0x38;
	[tilespmem:$0x1E000] =	vst v63  }
0x176: {  	p1 =	sne.s32 s15, $0x19;
	s30 =	sadd.s32 $0x6800, s0  }
0x177: {  	[hbm4b:s30+s3] =	stream.linear.scatter [tilespmem:s10], [sflag:$0x4], $0x200, $0x38;
	[tilespmem:$0x1E000] =	vst v63  }
.Ltmp7:
0x178: {  	_ = 	snop;
	(pc) =	sbr.rel @p1 .LBB2_8-.Ltmp7, $4  }
0x179: {  	s31 =	sadd.s32 $0x7000, s0  }
0x17a: {  	[hbm4b:s31+s3] =	stream.linear.scatter [tilespmem:s12], [sflag:$0x4], $0x200, $0x38;
	[tilespmem:$0x1E000] =	vst v63  }
0x17b: {  	s0 =	sadd.s32 $0x7800, s0  }
0x17c: {  	[hbm4b:s0+s3] =	stream.linear.scatter [tilespmem:s13], [sflag:$0x4], $0x200, $0x38;
	[tilespmem:$0x1E000] =	vst v63  }
0x17d: {  	s0 =	simm.s32 $0x3  }
0x17e: {  	_ =	swait.ge [sflag:s0], $0x2000  }
0x17f: {  	[sflag:s0] =	ssyncset.done $0x0  }
0x180: {  	s26 =	simm.s32 $0x4;
	[sflag:s0] =	ssyncadd.s32 $0xFFFFE000  }
0x181: {  	_ =	swait.ge [sflag:s26], $0x2000  }
0x182: {  	s14 =	simm.s32 $0x0;
	s15 =	simm.s32 $0x4000;
	[sflag:s26] =	ssyncset.done $0x0  }
0x183: {  	s30 =	simm.s32 $0x9;
	s29 =	rddreg [dreg:$0x7];
	[sflag:s26] =	ssyncadd.s32 $0xFFFFE000  }
0x184: {  	[tilespmem:s14], [sflag:$0x9] =	stream.strided.gather [hbm4b:s29+s22], $0x6400, s15, s22, $0x38;
	[tilespmem:$0x1E000] =	vst v63  }
0x185: {  	_ =	swait.ge [sflag:s30], $0x6400  }
0x186: {  	[sflag:s30] =	ssyncset.done $0x0  }
0x187: {  	s31 =	simm.s32 $0x6400;
	s15 =	simm.s32 $0x0;
	[sflag:s30] =	ssyncadd.s32 $0xFFFF9C00  }
0x188: {  	[tilespmem:s31], [sflag:$0x1] =	stream.indirect.gather [hbm4b:s6+s22], $0x10, s14, s22, $0xb8;
	[tilespmem:$0x1E000] =	vst v63  }
.LBB2_14:
0x189: {  	p1 =	seq.s32 s15, $0x0  }
0x18a: {  	s0 =	sshll.u32 s15, $0x1;
	s26 =	simm.s32 $0x1;
	s29 =	simm.s32 $0x2  }
0x18b: {  	v9 =	vmov s14;
	s30 =	simm.s32 $0x3;
	s31 =	simm.s32 $0x4;
	s25 =	simm.s32 @!p1 $0x3  }
0x18c: {  	s16 =	sor.u32 $0x1, s0;
	v9 =	vshrl.u32 v9, $0x3;
	v11 =	vmov s29;
	s29 =	simm.s32 $0x5;
	_ =	swait.ge @!p1 [sflag:s25], $0x2000  }
0x18d: {  	v10 =	vmov s26;
	v12 =	vmov s30;
	s30 =	simm.s32 $0x7;
	v13 =	vmov s31;
	s0 =	sshll.u32 s16, $0x9;
	[sflag:s25] =	ssyncset.done @!p1 $0x0  }
0x18e: {  	s31 =	simm.s32 $0x8400;
	v14 =	vmov s29;
	v15 =	vmov s30;
	v9 =	vshll.u32 v9, v1;
	s0 =	sand.u32 $0x3FFFFE00, s0;
	[sflag:s25] =	ssyncadd.s32 @!p1 $0xFFFFE000  }
0x18f: {  	v10 =	vshrl.u32 v10, $0x3;
	v11 =	vshrl.u32 v11, $0x3;
	v15 =	vshrl.u32 v15, $0x3;
	[tilespmem:s31], [sflag:$0x2] =	stream.indirect.gather [hbm4b:s6+s22], $0x10, s0, s22, $0xb8;
	[tilespmem:$0x1E000] =	vst v63  }
0x190: {  	v12 =	vshrl.u32 v12, $0x3;
	v13 =	vshrl.u32 v13, $0x3;
	v15 =	vshll.u32 v15, v1;
	_ =	swait.ge [sflag:s7], $0x2000  }
0x191: {  	v14 =	vshrl.u32 v14, $0x3;
	v9 =	vbroadcast v9, $0x0;
	s25 =	simm.s32 $0x6;
	v15 =	vbroadcast v15, $0x0;
	[sflag:s7] =	ssyncset.done $0x0  }
0x192: {  	v10 =	vshll.u32 v10, v1;
	v11 =	vshll.u32 v11, v1;
	v16 =	vmov s25;
	s25 =	simm.s32 $0x6440;
	[sflag:s7] =	ssyncadd.s32 $0xFFFFE000  }
0x193: {  	v10 =	vbroadcast v10, $0x0;
	v19 =	vadd.s32 v0, v9;
	v15 =	vadd.s32 v8, v15;
	v17 =	vld [tilespmem:s25+$0x30]  }
0x194: {  	v9 =	vbroadcast v11, $0x0;
	v11 =	vshll.u32 v12, v1;
	v12 =	vshrl.u32 v16, $0x3;
	v18 =	vld [tilespmem:s25+$0xFFFFFFC0]  }
0x195: {  	v20 =	vadd.s32 v2, v10;
	v10 =	vbroadcast v11, $0x0;
	v11 =	vshll.u32 v13, v1;
	v16 =	vld [tilespmem:s25+$0xFFFFFFD0]  }
0x196: {  	v13 =	vshll.u32 v14, v1;
	v23 =	vadd.s32 v3, v9;
	v11 =	vbroadcast v11, $0x0;
	v22 =	vld [tilespmem:s25+$0xFFFFFFE0]  }
0x197: {  	v14 =	vbroadcast v13, $0x0;
	v13 =	vshll.u32 v12, v1;
	v12 =	vadd.s32 v4, v10;
	v9 =	vld [tilespmem:s25+$0xFFFFFFF0]  }
0x198: {  	s31 =	simm.s32 $0x8;
	v21 =	vbroadcast v13, $0x0;
	v10 =	vld [tilespmem:s25+$0x0];
	v11 =	vadd.s32 v5, v11;
	[tilespmem:v15+s28+$0x0] =	vst.idx.msk $0xffff, v17  }
0x199: {  	s26 =	simm.s32 $0x9;
	s29 =	simm.s32 $0xA;
	v13 =	vld [tilespmem:s25+$0x10];
	v14 =	vadd.s32 v6, v14;
	v15 =	vmov s31;
	[tilespmem:v19+s28+$0x0] =	vst.idx.msk $0xffff, v18  }
0x19a: {  	s30 =	simm.s32 $0xC;
	s0 =	simm.s32 $0x10;
	v18 =	vmov s26;
	s31 =	simm.s32 $0xB;
	[tilespmem:v20+s28+$0x0] =	vst.idx.msk $0xffff, v16;
	v16 =	vadd.s32 v7, v21;
	v17 =	vshrl.u32 v15, $0x3;
	v15 =	vld [tilespmem:s25+$0x20]  }
0x19b: {  	s26 =	simm.s32 $0xD;
	v20 =	vmov s29;
	v19 =	vmov s30;
	s29 =	simm.s32 $0xE;
	s30 =	simm.s32 $0xF;
	[tilespmem:v23+s28+$0x0] =	vst.idx.msk $0xffff, v22;
	v21 =	vmov s31  }
.LBB2_15:
0x19c: {  	p2 =	slt.u32 s0, $0x1F8;
	v22 =	vmov s26;
	v23 =	vmov s29;
	v24 =	vmov s30;
	[tilespmem:v12+s28+$0x0] =	vst.idx.msk $0xffff, v9  }
0x19d: {  	v9 =	vshll.u32 v17, v1;
	v12 =	vshrl.u32 v18, $0x3;
	v17 =	vshrl.u32 v24, $0x3;
	[tilespmem:v11+s28+$0x0] =	vst.idx.msk $0xffff, v10  }
0x19e: {  	v10 =	vshrl.u32 v20, $0x3;
	v11 =	vshrl.u32 v21, $0x3;
	v17 =	vshll.u32 v17, v1;
	[tilespmem:v14+s28+$0x0] =	vst.idx.msk $0xffff, v13  }
0x19f: {  	v13 =	vshrl.u32 v19, $0x3;
	v14 =	vshrl.u32 v22, $0x3;
	v17 =	vbroadcast v17, $0x0;
	[tilespmem:v16+s28+$0x0] =	vst.idx.msk $0xffff, v15  }
0x1a0: {  	s25 =	sadd.s32 $0x80, s25;
	v9 =	vbroadcast v9, $0x0;
	v12 =	vshll.u32 v12, v1;
	v15 =	vshrl.u32 v23, $0x3  }
0x1a1: {  	v12 =	vbroadcast v12, $0x0;
	v10 =	vshll.u32 v10, v1;
	v16 =	vld [tilespmem:s25+$0x30];
	v17 =	vadd.s32 v8, v17  }
0x1a2: {  	v19 =	vadd.s32 v0, v9;
	v9 =	vbroadcast v10, $0x0;
	v10 =	vshll.u32 v11, v1;
	v18 =	vld [tilespmem:s25+$0xFFFFFFC0]  }
0x1a3: {  	v11 =	vshll.u32 v13, v1;
	v21 =	vadd.s32 v2, v12;
	v10 =	vbroadcast v10, $0x0;
	v20 =	vld [tilespmem:s25+$0xFFFFFFD0]  }
0x1a4: {  	v13 =	vshll.u32 v14, v1;
	v11 =	vbroadcast v11, $0x0;
	v23 =	vadd.s32 v3, v9;
	v22 =	vld [tilespmem:s25+$0xFFFFFFE0]  }
.Ltmp8:
0x1a5: {  	v14 =	vbroadcast v13, $0x0;
	v13 =	vshll.u32 v15, v1;
	v12 =	vadd.s32 v4, v10;
	v9 =	vld [tilespmem:s25+$0xFFFFFFF0];
	(pc) =	sbr.rel @p2 .LBB2_15-.Ltmp8, $4  }
0x1a6: {  	v24 =	vbroadcast v13, $0x0;
	v11 =	vadd.s32 v5, v11;
	v10 =	vld [tilespmem:s25+$0x0];
	[tilespmem:v17+s28+$0x0] =	vst.idx.msk $0xffff, v16  }
0x1a7: {  	s26 =	sadd.s32 $0x1, s0;
	s29 =	sadd.s32 $0x2, s0;
	v15 =	vmov s0;
	v14 =	vadd.s32 v6, v14;
	[tilespmem:v19+s28+$0x0] =	vst.idx.msk $0xffff, v18;
	v13 =	vld [tilespmem:s25+$0x10]  }
0x1a8: {  	s30 =	sadd.s32 $0x3, s0;
	s31 =	sadd.s32 $0x4, s0;
	v17 =	vshrl.u32 v15, $0x3;
	v16 =	vadd.s32 v7, v24;
	v18 =	vmov s26;
	s26 =	sadd.s32 $0x5, s0;
	[tilespmem:v21+s28+$0x0] =	vst.idx.msk $0xffff, v20;
	v15 =	vld [tilespmem:s25+$0x20]  }
0x1a9: {  	v19 =	vmov s31;
	v20 =	vmov s29;
	v21 =	vmov s30;
	s29 =	sadd.s32 $0x6, s0;
	s30 =	sadd.s32 $0x7, s0;
	s0 =	sadd.s32 $0x8, s0;
	[tilespmem:v23+s28+$0x0] =	vst.idx.msk $0xffff, v22  }
0x1aa: {  	v22 =	vmov s26;
	v23 =	vmov s29;
	v24 =	vmov s30  }
0x1ab: {  	v17 =	vshll.u32 v17, v1;
	v18 =	vshrl.u32 v18, $0x3;
	v20 =	vshrl.u32 v20, $0x3  }
0x1ac: {  	v21 =	vshrl.u32 v21, $0x3;
	v19 =	vshrl.u32 v19, $0x3;
	v24 =	vshrl.u32 v24, $0x3  }
0x1ad: {  	v22 =	vshrl.u32 v22, $0x3;
	v17 =	vbroadcast v17, $0x0;
	v18 =	vshll.u32 v18, v1  }
0x1ae: {  	s0 =	sadd.s32 $0x80, s25;
	v23 =	vshrl.u32 v23, $0x3;
	v24 =	vshll.u32 v24, v1;
	v18 =	vbroadcast v18, $0x0  }
0x1af: {  	[tilespmem:v12+s28+$0x0] =	vst.idx.msk $0xffff, v9;
	v20 =	vshll.u32 v20, v1;
	v9 =	vld [tilespmem:s0+$0xFFFFFFC0];
	v24 =	vbroadcast v24, $0x0;
	v12 =	vadd.s32 v0, v17  }
0x1b0: {  	[tilespmem:v11+s28+$0x0] =	vst.idx.msk $0xffff, v10;
	v10 =	vld [tilespmem:s0+$0xFFFFFFD0];
	v17 =	vbroadcast v20, $0x0;
	v20 =	vshll.u32 v21, v1;
	v11 =	vadd.s32 v2, v18  }
0x1b1: {  	v25 =	vld [tilespmem:s0+$0x30];
	v19 =	vshll.u32 v19, v1;
	v18 =	vbroadcast v20, $0x0;
	v24 =	vadd.s32 v8, v24  }
0x1b2: {  	[tilespmem:v14+s28+$0x0] =	vst.idx.msk $0xffff, v13;
	v13 =	vld [tilespmem:s0+$0xFFFFFFE0];
	v14 =	vadd.s32 v3, v17;
	v17 =	vbroadcast v19, $0x0;
	v19 =	vshll.u32 v22, v1  }
0x1b3: {  	[tilespmem:v16+s28+$0x0] =	vst.idx.msk $0xffff, v15;
	v15 =	vld [tilespmem:s0+$0xFFFFFFF0];
	v16 =	vadd.s32 v4, v18;
	v18 =	vbroadcast v19, $0x0;
	v19 =	vshll.u32 v23, v1  }
0x1b4: {  	v20 =	vld [tilespmem:s0+$0x0];
	v17 =	vadd.s32 v5, v17;
	v19 =	vbroadcast v19, $0x0;
	[tilespmem:v12+s28+$0x0] =	vst.idx.msk $0xffff, v9  }
0x1b5: {  	v9 =	vld [tilespmem:s0+$0x10];
	v12 =	vadd.s32 v6, v18;
	[tilespmem:v11+s28+$0x0] =	vst.idx.msk $0xffff, v10  }
0x1b6: {  	v10 =	vld [tilespmem:s0+$0x20];
	v11 =	vadd.s32 v7, v19;
	[tilespmem:v24+s28+$0x0] =	vst.idx.msk $0xffff, v25  }
0x1b7: {  	[tilespmem:v14+s28+$0x0] =	vst.idx.msk $0xffff, v13  }
0x1b8: {  	[tilespmem:v16+s28+$0x0] =	vst.idx.msk $0xffff, v15  }
0x1b9: {  	s25 =	sshll.u32 s15, $0x11;
	[tilespmem:v17+s28+$0x0] =	vst.idx.msk $0xffff, v20  }
0x1ba: {  	s0 =	sadd.s32 s4, s25;
	[tilespmem:v12+s28+$0x0] =	vst.idx.msk $0xffff, v9  }
0x1bb: {  	s0 =	sadd.s32 s11, s0;
	[tilespmem:v11+s28+$0x0] =	vst.idx.msk $0xffff, v10  }
0x1bc: {  	[hbm4b:s0+s3] =	stream.linear.scatter [tilespmem:s28], [sflag:$0x3], $0x200, $0x38;
	[tilespmem:$0x1E000] =	vst v63  }
0x1bd: {  	s31 =	simm.s32 $0xA608;
	s26 =	sadd.s32 $0x800, s0  }
0x1be: {  	[hbm4b:s26+s3] =	stream.linear.scatter [tilespmem:s31], [sflag:$0x3], $0x200, $0x38;
	[tilespmem:$0x1E000] =	vst v63  }
0x1bf: {  	s26 =	sadd.s32 $0x1000, s0;
	s31 =	simm.s32 $0xA810  }
0x1c0: {  	[hbm4b:s26+s3] =	stream.linear.scatter [tilespmem:s31], [sflag:$0x3], $0x200, $0x38;
	[tilespmem:$0x1E000] =	vst v63  }
0x1c1: {  	s26 =	sadd.s32 $0x1800, s0;
	s31 =	simm.s32 $0xAA18  }
0x1c2: {  	[hbm4b:s26+s3] =	stream.linear.scatter [tilespmem:s31], [sflag:$0x3], $0x200, $0x38;
	[tilespmem:$0x1E000] =	vst v63  }
0x1c3: {  	s26 =	sadd.s32 $0x2000, s0;
	s31 =	simm.s32 $0xAC20  }
0x1c4: {  	[hbm4b:s26+s3] =	stream.linear.scatter [tilespmem:s31], [sflag:$0x3], $0x200, $0x38;
	[tilespmem:$0x1E000] =	vst v63  }
0x1c5: {  	s26 =	sadd.s32 $0x2800, s0;
	s31 =	simm.s32 $0xAE28  }
0x1c6: {  	[hbm4b:s26+s3] =	stream.linear.scatter [tilespmem:s31], [sflag:$0x3], $0x200, $0x38;
	[tilespmem:$0x1E000] =	vst v63  }
0x1c7: {  	s26 =	sadd.s32 $0x3000, s0;
	s31 =	simm.s32 $0xB030  }
0x1c8: {  	[hbm4b:s26+s3] =	stream.linear.scatter [tilespmem:s31], [sflag:$0x3], $0x200, $0x38;
	[tilespmem:$0x1E000] =	vst v63  }
0x1c9: {  	s26 =	sadd.s32 $0x3800, s0;
	s31 =	simm.s32 $0xB238  }
0x1ca: {  	[hbm4b:s26+s3] =	stream.linear.scatter [tilespmem:s31], [sflag:$0x3], $0x200, $0x38;
	[tilespmem:$0x1E000] =	vst v63  }
0x1cb: {  	s26 =	sadd.s32 $0x4000, s0;
	s31 =	simm.s32 $0xB440  }
0x1cc: {  	[hbm4b:s26+s3] =	stream.linear.scatter [tilespmem:s31], [sflag:$0x3], $0x200, $0x38;
	[tilespmem:$0x1E000] =	vst v63  }
0x1cd: {  	s26 =	sadd.s32 $0x4800, s0;
	s31 =	simm.s32 $0xB648  }
0x1ce: {  	[hbm4b:s26+s3] =	stream.linear.scatter [tilespmem:s31], [sflag:$0x3], $0x200, $0x38;
	[tilespmem:$0x1E000] =	vst v63  }
0x1cf: {  	s26 =	sadd.s32 $0x5000, s0;
	s31 =	simm.s32 $0xB850  }
0x1d0: {  	[hbm4b:s26+s3] =	stream.linear.scatter [tilespmem:s31], [sflag:$0x3], $0x200, $0x38;
	[tilespmem:$0x1E000] =	vst v63  }
0x1d1: {  	s26 =	sadd.s32 $0x5800, s0;
	s31 =	simm.s32 $0xBA58  }
0x1d2: {  	[hbm4b:s26+s3] =	stream.linear.scatter [tilespmem:s31], [sflag:$0x3], $0x200, $0x38;
	[tilespmem:$0x1E000] =	vst v63  }
0x1d3: {  	s26 =	sadd.s32 $0x6000, s0;
	s31 =	simm.s32 $0xBC60  }
0x1d4: {  	[hbm4b:s26+s3] =	stream.linear.scatter [tilespmem:s31], [sflag:$0x3], $0x200, $0x38;
	[tilespmem:$0x1E000] =	vst v63  }
0x1d5: {  	s26 =	sadd.s32 $0x6800, s0;
	s31 =	simm.s32 $0xBE68  }
0x1d6: {  	[hbm4b:s26+s3] =	stream.linear.scatter [tilespmem:s31], [sflag:$0x3], $0x200, $0x38;
	[tilespmem:$0x1E000] =	vst v63  }
0x1d7: {  	s26 =	sadd.s32 $0x7000, s0;
	s31 =	simm.s32 $0xC070  }
0x1d8: {  	[hbm4b:s26+s3] =	stream.linear.scatter [tilespmem:s31], [sflag:$0x3], $0x200, $0x38;
	[tilespmem:$0x1E000] =	vst v63  }
0x1d9: {  	s0 =	sadd.s32 $0x7800, s0;
	s26 =	simm.s32 $0xC278  }
0x1da: {  	[hbm4b:s0+s3] =	stream.linear.scatter [tilespmem:s26], [sflag:$0x3], $0x200, $0x38;
	[tilespmem:$0x1E000] =	vst v63  }
0x1db: {  	p2 =	seq.s32 @!p1 s15, $0x18;
	s0 =	simm.s32 @!p1 $0x4  }
0x1dc: {  	p2 =	por p1, !p2;
	_ =	swait.ge @!p1 [sflag:s0], $0x2000  }
0x1dd: {  	s29 =	simm.s32 $0x5;
	s25 =	simm.s32 @p2 $0x6400;
	[sflag:s0] =	ssyncset.done @!p1 $0x0  }
0x1de: {  	v14 =	vmov s29;
	s31 =	simm.s32 $0x0;
	[sflag:s0] =	ssyncadd.s32 @!p1 $0xFFFFE000;
	s0 =	sshll.u32 @p2 s15, $0xA  }
0x1df: {  	v14 =	vshrl.u32 v14, $0x3;
	v9 =	vmov s31;
	s31 =	simm.s32 $0x3;
	s26 =	simm.s32 $0x2;
	s0 =	sand.u32 @p2 $0x3FFFFC00, s0  }
0x1e0: {  	v9 =	vshrl.u32 v9, $0x3;
	v12 =	vmov s31;
	s31 =	simm.s32 $0x7;
	v11 =	vmov s26;
	s26 =	simm.s32 $0x6;
	s0 =	sadd.s32 @p2 $0x400, s0  }
0x1e1: {  	v15 =	vmov s31;
	v9 =	vshll.u32 v9, v1;
	v12 =	vshrl.u32 v12, $0x3;
	[tilespmem:s25], [sflag:$0x1] =	stream.indirect.gather @p2 [hbm4b:s6+s22], $0x10, s0, s22, $0xb8;
	[tilespmem:$0x1E000] =	vst v63  }
0x1e2: {  	v16 =	vmov s26;
	v15 =	vshrl.u32 v15, $0x3;
	v11 =	vshrl.u32 v11, $0x3;
	s25 =	simm.s32 $0x1  }
0x1e3: {  	v9 =	vbroadcast v9, $0x0;
	v15 =	vshll.u32 v15, v1;
	v10 =	vmov s25;
	_ =	swait.ge [sflag:s18], $0x2000  }
0x1e4: {  	v11 =	vshll.u32 v11, v1;
	v15 =	vbroadcast v15, $0x0;
	v10 =	vshrl.u32 v10, $0x3;
	[sflag:s18] =	ssyncset.done $0x0  }
0x1e5: {  	v19 =	vadd.s32 v0, v9;
	v9 =	vbroadcast v11, $0x0;
	s0 =	simm.s32 $0x4;
	s25 =	simm.s32 $0x8440;
	[sflag:s18] =	ssyncadd.s32 $0xFFFFE000;
	v10 =	vshll.u32 v10, v1  }
0x1e6: {  	v15 =	vadd.s32 v8, v15;
	v13 =	vmov s0;
	v10 =	vbroadcast v10, $0x0;
	v17 =	vld [tilespmem:s25+$0x30]  }
0x1e7: {  	v11 =	vshll.u32 v12, v1;
	v12 =	vshrl.u32 v16, $0x3;
	v13 =	vshrl.u32 v13, $0x3;
	v18 =	vld [tilespmem:s25+$0xFFFFFFC0]  }
0x1e8: {  	v16 =	vld [tilespmem:s25+$0xFFFFFFD0];
	v20 =	vadd.s32 v2, v10;
	v10 =	vbroadcast v11, $0x0;
	v11 =	vshll.u32 v13, v1  }
0x1e9: {  	v23 =	vadd.s32 v3, v9;
	v22 =	vld [tilespmem:s25+$0xFFFFFFE0];
	v13 =	vshll.u32 v14, v1;
	v11 =	vbroadcast v11, $0x0  }
0x1ea: {  	v9 =	vld [tilespmem:s25+$0xFFFFFFF0];
	v14 =	vbroadcast v13, $0x0;
	v13 =	vshll.u32 v12, v1;
	v12 =	vadd.s32 v4, v10  }
0x1eb: {  	s31 =	simm.s32 $0x8;
	v10 =	vld [tilespmem:s25+$0x0];
	v21 =	vbroadcast v13, $0x0;
	[tilespmem:v15+s21+$0x0] =	vst.idx.msk $0xffff, v17;
	v11 =	vadd.s32 v5, v11  }
0x1ec: {  	s30 =	simm.s32 $0xC;
	s26 =	simm.s32 $0x9;
	v13 =	vld [tilespmem:s25+$0x10];
	v15 =	vmov s31;
	[tilespmem:v19+s21+$0x0] =	vst.idx.msk $0xffff, v18;
	v14 =	vadd.s32 v6, v14  }
0x1ed: {  	s29 =	simm.s32 $0xA;
	s0 =	simm.s32 $0x10;
	v18 =	vmov s26;
	s31 =	simm.s32 $0xB;
	v17 =	vshrl.u32 v15, $0x3;
	v15 =	vld [tilespmem:s25+$0x20];
	[tilespmem:v20+s21+$0x0] =	vst.idx.msk $0xffff, v16;
	v16 =	vadd.s32 v7, v21  }
0x1ee: {  	s26 =	simm.s32 $0xD;
	v19 =	vmov s30;
	s30 =	simm.s32 $0xF;
	[tilespmem:v23+s21+$0x0] =	vst.idx.msk $0xffff, v22;
	v20 =	vmov s29;
	v21 =	vmov s31;
	s29 =	simm.s32 $0xE  }
.LBB2_17:
0x1ef: {  	p1 =	slt.u32 s0, $0x1F8;
	v22 =	vmov s26;
	v23 =	vmov s29;
	v24 =	vmov s30;
	[tilespmem:v12+s21+$0x0] =	vst.idx.msk $0xffff, v9  }
0x1f0: {  	v9 =	vshll.u32 v17, v1;
	v12 =	vshrl.u32 v18, $0x3;
	v17 =	vshrl.u32 v24, $0x3;
	[tilespmem:v11+s21+$0x0] =	vst.idx.msk $0xffff, v10  }
0x1f1: {  	v10 =	vshrl.u32 v20, $0x3;
	v11 =	vshrl.u32 v21, $0x3;
	v17 =	vshll.u32 v17, v1;
	[tilespmem:v14+s21+$0x0] =	vst.idx.msk $0xffff, v13  }
0x1f2: {  	v13 =	vshrl.u32 v19, $0x3;
	v14 =	vshrl.u32 v22, $0x3;
	v17 =	vbroadcast v17, $0x0;
	[tilespmem:v16+s21+$0x0] =	vst.idx.msk $0xffff, v15  }
0x1f3: {  	s25 =	sadd.s32 $0x80, s25;
	v9 =	vbroadcast v9, $0x0;
	v12 =	vshll.u32 v12, v1;
	v15 =	vshrl.u32 v23, $0x3  }
0x1f4: {  	v12 =	vbroadcast v12, $0x0;
	v10 =	vshll.u32 v10, v1;
	v16 =	vld [tilespmem:s25+$0x30];
	v17 =	vadd.s32 v8, v17  }
0x1f5: {  	v19 =	vadd.s32 v0, v9;
	v9 =	vbroadcast v10, $0x0;
	v10 =	vshll.u32 v11, v1;
	v18 =	vld [tilespmem:s25+$0xFFFFFFC0]  }
0x1f6: {  	v11 =	vshll.u32 v13, v1;
	v21 =	vadd.s32 v2, v12;
	v10 =	vbroadcast v10, $0x0;
	v20 =	vld [tilespmem:s25+$0xFFFFFFD0]  }
0x1f7: {  	v13 =	vshll.u32 v14, v1;
	v11 =	vbroadcast v11, $0x0;
	v23 =	vadd.s32 v3, v9;
	v22 =	vld [tilespmem:s25+$0xFFFFFFE0]  }
.Ltmp9:
0x1f8: {  	v14 =	vbroadcast v13, $0x0;
	v13 =	vshll.u32 v15, v1;
	v12 =	vadd.s32 v4, v10;
	v9 =	vld [tilespmem:s25+$0xFFFFFFF0];
	(pc) =	sbr.rel @p1 .LBB2_17-.Ltmp9, $4  }
0x1f9: {  	v24 =	vbroadcast v13, $0x0;
	v11 =	vadd.s32 v5, v11;
	v10 =	vld [tilespmem:s25+$0x0];
	[tilespmem:v17+s21+$0x0] =	vst.idx.msk $0xffff, v16  }
0x1fa: {  	s26 =	sadd.s32 $0x1, s0;
	s29 =	sadd.s32 $0x2, s0;
	v15 =	vmov s0;
	v14 =	vadd.s32 v6, v14;
	[tilespmem:v19+s21+$0x0] =	vst.idx.msk $0xffff, v18;
	v13 =	vld [tilespmem:s25+$0x10]  }
0x1fb: {  	s30 =	sadd.s32 $0x3, s0;
	s31 =	sadd.s32 $0x4, s0;
	v17 =	vshrl.u32 v15, $0x3;
	v16 =	vadd.s32 v7, v24;
	v18 =	vmov s26;
	s26 =	sadd.s32 $0x5, s0;
	[tilespmem:v21+s21+$0x0] =	vst.idx.msk $0xffff, v20;
	v15 =	vld [tilespmem:s25+$0x20]  }
0x1fc: {  	v19 =	vmov s31;
	v20 =	vmov s29;
	v21 =	vmov s30;
	s29 =	sadd.s32 $0x6, s0;
	s30 =	sadd.s32 $0x7, s0;
	s0 =	sadd.s32 $0x8, s0;
	[tilespmem:v23+s21+$0x0] =	vst.idx.msk $0xffff, v22  }
0x1fd: {  	v22 =	vmov s26;
	v23 =	vmov s29;
	v24 =	vmov s30  }
0x1fe: {  	v17 =	vshll.u32 v17, v1;
	v18 =	vshrl.u32 v18, $0x3;
	v20 =	vshrl.u32 v20, $0x3  }
0x1ff: {  	v21 =	vshrl.u32 v21, $0x3;
	v19 =	vshrl.u32 v19, $0x3;
	v24 =	vshrl.u32 v24, $0x3  }
0x200: {  	v22 =	vshrl.u32 v22, $0x3;
	v17 =	vbroadcast v17, $0x0;
	v18 =	vshll.u32 v18, v1  }
0x201: {  	s0 =	sadd.s32 $0x80, s25;
	v23 =	vshrl.u32 v23, $0x3;
	v20 =	vshll.u32 v20, v1;
	v18 =	vbroadcast v18, $0x0  }
0x202: {  	[tilespmem:v12+s21+$0x0] =	vst.idx.msk $0xffff, v9;
	v9 =	vld [tilespmem:s0+$0xFFFFFFC0];
	v52 =	vshll.u32 v21, v1;
	v51 =	vbroadcast v20, $0x0;
	v50 =	vadd.s32 v0, v17  }
0x203: {  	[tilespmem:v11+s21+$0x0] =	vst.idx.msk $0xffff, v10;
	v10 =	vld [tilespmem:s0+$0xFFFFFFD0];
	v19 =	vshll.u32 v19, v1;
	v53 =	vbroadcast v52, $0x0;
	v11 =	vadd.s32 v2, v18  }
0x204: {  	v54 =	vld [tilespmem:s0+$0xFFFFFFE0];
	v24 =	vshll.u32 v24, v1;
	v56 =	vbroadcast v19, $0x0;
	v55 =	vadd.s32 v3, v51  }
0x205: {  	v58 =	vld [tilespmem:s0+$0xFFFFFFF0];
	[tilespmem:v14+s21+$0x0] =	vst.idx.msk $0xffff, v13;
	v57 =	vshll.u32 v22, v1;
	v24 =	vbroadcast v24, $0x0;
	v59 =	vadd.s32 v4, v53  }
0x206: {  	v62 =	vld [tilespmem:s0+$0x0];
	v61 =	vshll.u32 v23, v1;
	[tilespmem:v16+s21+$0x0] =	vst.idx.msk $0xffff, v15;
	v60 =	vbroadcast v57, $0x0;
	v17 =	vadd.s32 v5, v56  }
0x207: {  	v25 =	vld [tilespmem:s0+$0x30];
	v19 =	vbroadcast v61, $0x0;
	v24 =	vadd.s32 v8, v24;
	[tilespmem:v50+s21+$0x0] =	vst.idx.msk $0xffff, v9  }
0x208: {  	v63 =	vadd.s32 v6, v60;
	v9 =	vld [tilespmem:s0+$0x10];
	[tilespmem:v11+s21+$0x0] =	vst.idx.msk $0xffff, v10  }
0x209: {  	v10 =	vld [tilespmem:s0+$0x20];
	v11 =	vadd.s32 v7, v19;
	[tilespmem:v55+s21+$0x0] =	vst.idx.msk $0xffff, v54  }
0x20a: {  	[tilespmem:v59+s21+$0x0] =	vst.idx.msk $0xffff, v58  }
0x20b: {  	[tilespmem:v17+s21+$0x0] =	vst.idx.msk $0xffff, v62  }
0x20c: {  	s25 =	sshll.u32 s16, $0x10;
	[tilespmem:v24+s21+$0x0] =	vst.idx.msk $0xffff, v25  }
0x20d: {  	s0 =	sadd.s32 s4, s25;
	[tilespmem:v63+s21+$0x0] =	vst.idx.msk $0xffff, v9  }
0x20e: {  	s0 =	sadd.s32 s11, s0;
	[tilespmem:v11+s21+$0x0] =	vst.idx.msk $0xffff, v10  }
0x20f: {  	[hbm4b:s0+s3] =	stream.linear.scatter [tilespmem:s21], [sflag:$0x4], $0x200, $0x38;
	[tilespmem:$0x1E000] =	vst v63  }
0x210: {  	s29 =	simm.s32 $0xC688;
	s26 =	sadd.s32 $0x800, s0  }
0x211: {  	[hbm4b:s26+s3] =	stream.linear.scatter [tilespmem:s29], [sflag:$0x4], $0x200, $0x38;
	[tilespmem:$0x1E000] =	vst v63  }
0x212: {  	s31 =	simm.s32 $0xC890;
	s30 =	sadd.s32 $0x1000, s0  }
0x213: {  	[hbm4b:s30+s3] =	stream.linear.scatter [tilespmem:s31], [sflag:$0x4], $0x200, $0x38;
	[tilespmem:$0x1E000] =	vst v63  }
0x214: {  	s26 =	sadd.s32 $0x1800, s0;
	s29 =	simm.s32 $0xCA98  }
0x215: {  	[hbm4b:s26+s3] =	stream.linear.scatter [tilespmem:s29], [sflag:$0x4], $0x200, $0x38;
	[tilespmem:$0x1E000] =	vst v63  }
0x216: {  	s30 =	sadd.s32 $0x2000, s0;
	s31 =	simm.s32 $0xCCA0  }
0x217: {  	[hbm4b:s30+s3] =	stream.linear.scatter [tilespmem:s31], [sflag:$0x4], $0x200, $0x38;
	[tilespmem:$0x1E000] =	vst v63  }
0x218: {  	s26 =	sadd.s32 $0x2800, s0;
	s29 =	simm.s32 $0xCEA8  }
0x219: {  	[hbm4b:s26+s3] =	stream.linear.scatter [tilespmem:s29], [sflag:$0x4], $0x200, $0x38;
	[tilespmem:$0x1E000] =	vst v63  }
0x21a: {  	s30 =	sadd.s32 $0x3000, s0;
	s31 =	simm.s32 $0xD0B0  }
0x21b: {  	[hbm4b:s30+s3] =	stream.linear.scatter [tilespmem:s31], [sflag:$0x4], $0x200, $0x38;
	[tilespmem:$0x1E000] =	vst v63  }
0x21c: {  	s26 =	sadd.s32 $0x3800, s0;
	s29 =	simm.s32 $0xD2B8  }
0x21d: {  	[hbm4b:s26+s3] =	stream.linear.scatter [tilespmem:s29], [sflag:$0x4], $0x200, $0x38;
	[tilespmem:$0x1E000] =	vst v63  }
0x21e: {  	s30 =	sadd.s32 $0x4000, s0  }
0x21f: {  	[hbm4b:s30+s3] =	stream.linear.scatter [tilespmem:s24], [sflag:$0x4], $0x200, $0x38;
	[tilespmem:$0x1E000] =	vst v63  }
0x220: {  	s31 =	sadd.s32 $0x4800, s0  }
0x221: {  	[hbm4b:s31+s3] =	stream.linear.scatter [tilespmem:s5], [sflag:$0x4], $0x200, $0x38;
	[tilespmem:$0x1E000] =	vst v63  }
0x222: {  	s25 =	sadd.s32 $0x5000, s0  }
0x223: {  	[hbm4b:s25+s3] =	stream.linear.scatter [tilespmem:s1], [sflag:$0x4], $0x200, $0x38;
	[tilespmem:$0x1E000] =	vst v63  }
0x224: {  	s26 =	sadd.s32 $0x5800, s0  }
0x225: {  	[hbm4b:s26+s3] =	stream.linear.scatter [tilespmem:s2], [sflag:$0x4], $0x200, $0x38;
	[tilespmem:$0x1E000] =	vst v63  }
0x226: {  	s15 =	sadd.s32 $0x1, s15;
	s29 =	sadd.s32 $0x6000, s0  }
0x227: {  	[hbm4b:s29+s3] =	stream.linear.scatter [tilespmem:s8], [sflag:$0x4], $0x200, $0x38;
	[tilespmem:$0x1E000] =	vst v63  }
0x228: {  	p1 =	sne.s32 s15, $0x19;
	s30 =	sadd.s32 $0x6800, s0  }
0x229: {  	[hbm4b:s30+s3] =	stream.linear.scatter [tilespmem:s10], [sflag:$0x4], $0x200, $0x38;
	[tilespmem:$0x1E000] =	vst v63  }
.Ltmp10:
0x22a: {  	_ = 	snop;
	(pc) =	sbr.rel @p1 .LBB2_14-.Ltmp10, $4  }
0x22b: {  	s31 =	sadd.s32 $0x7000, s0  }
0x22c: {  	[hbm4b:s31+s3] =	stream.linear.scatter [tilespmem:s12], [sflag:$0x4], $0x200, $0x38;
	[tilespmem:$0x1E000] =	vst v63  }
0x22d: {  	s0 =	sadd.s32 $0x7800, s0  }
0x22e: {  	[hbm4b:s0+s3] =	stream.linear.scatter [tilespmem:s13], [sflag:$0x4], $0x200, $0x38;
	[tilespmem:$0x1E000] =	vst v63  }
0x22f: {  	s0 =	simm.s32 $0x3  }
0x230: {  	_ =	swait.ge [sflag:s0], $0x2000  }
0x231: {  	[sflag:s0] =	ssyncset.done $0x0  }
0x232: {  	s14 =	simm.s32 $0x4;
	[sflag:s0] =	ssyncadd.s32 $0xFFFFE000  }
0x233: {  	_ =	swait.ge [sflag:s14], $0x2000  }
0x234: {  	s15 =	rddreg [dreg:$0x1c]  }
0x235: {  	s26 =	rddreg [dreg:$0x8];
	s15 =	sadd.s32 $0x1, s15  }
0x236: {  	p1 =	sne.s32 s15, s26  }
.Ltmp11:
0x237: {  	_ = 	snop;
	(pc) =	sbr.rel @p1 .LBB2_1-.Ltmp11, $4  }
0x238: {  	_ = 	snop  }
0x239: {  	[sflag:s14] =	ssyncset.done $0x0  }
0x23a: {  	s30 =	rddreg [dreg:$0x1b];
	[sflag:s14] =	ssyncadd.s32 $0xFFFFE000  }
0x23b: {  	s31 =	simm.s32 $0xE500;
	s29 =	rddreg [dreg:$0x0]  }
0x23c: {  	_ =	sfence.sel $0x180000  }
0x23d: {  	[bflag:$0x0] =	sbarrier.arrive $0xFFFF  }
0x23e: {  	_ =	strace $0x90000047  }
0x23f: {  	s0 =	stileid.u32;
	[bflag:$0x2] =	sbarrier.arrive $0xFFFF  }
0x240: {  	p0 =	sne.s32 s0, $0x0;
	s0 =	rddreg [dreg:$0x3]  }
0x241: {  	s0 =	sadd.s32 @!p0 $0x100000, s0  }
0x242: {  	[sflag:s0] =	ssyncadd.tile.s32 @!p0 $0x1;
	_ =	shalt  }
.Lfunc_end2:
_tile_overlayer_lowered:
.L_overlay_start_2:
0x243: {  	(tag) =	ssettag $0x2  }
0x244: {  	s0 =	rddreg [dreg:$0x0];
	s2 =	stileid.u32  }
0x245: {  	s1 =	rddreg [dreg:$0x1];
	p0 =	sne.s32 s2, $0x0  }
0x246: {  	s3 =	rddreg [dreg:$0x2];
	[bflag:$0x3] =	sbarrier.arrive $0xFFFF;
	s2 =	simm.s32 @!p0 $0x1C09  }
0x247: {  	[timem:s3], [sflag:s2] =	dma.local @!p0 [hbm:s0], s1  }
0x248: {  	s0 =	simm.s32 @!p0 $0x9  }
0x249: {  	_ =	swait.ge @!p0 [sflag:s0], s1  }
0x24a: {  	s1 =	ssub.s32 @!p0 $0x0, s1;
	[sflag:s0] =	ssyncset.done @!p0 $0x0  }
0x24b: {  	[sflag:s0] =	ssyncadd.s32 @!p0 s1  }
0x24c: {  	[bflag:$0x3] =	sbarrier.arrive $0xFFFF  }
0x24d: {  	_ =	shalt  }

// kernel: sparse-core-data-format-call.cloned.1.call-start
scs
called_computation_lowered:
.L_overlay_start_0:
0x0: {  	s2 =	sld [smem:$0x3FD9]  }
0x1: {  	s3 =	sld [smem:$0x3FFE];
	_ =	sdelay $0x1  }
0x2: {  	s1 =	srdreg.scid  }
0x3: {  	s0 =	sand.u32 $0x1, s1  }
0x4: {  	s15 =	sshll.u32 s0, $0xA;
	s2 =	sadd.s32 s3, s2  }
0x5: {  	s2 =	sadd.s32 s2, s15  }
0x6: {  	[smem:$0x3FC6] =	sst s2  }
0x7: {  	_ = 	snop  }
0x8: {  	s2 =	sld [smem:$0x3FD0];
	_ =	sdelay $0x2  }
0x9: {  	s16 =	simm.s32 $0xA;
	s4 =	simm.s32 $0x10  }
0xa: {  	[smem:s4], [sflag:s16] =	dma.local [hbm:s2], $0x1  }
0xb: {  	_ =	swait.eq [sflag:s16], $0x1  }
0xc: {  	[sflag:s16] =	ssyncset.done $0x0  }
0xd: {  	[sflag:s16] =	ssyncadd.s32 $0xFFFFFFFF  }
0xe: {  	s17 =	sld [smem:$0x11];
	(tm) =	ssettm $0x1  }
0xf: {  	s18 =	sld [smem:$0x3FFB];
	_ =	sdelay $0x3  }
0x10: {  	_ =	strace s18  }
0x11: {  	s3 =	sld [smem:$0x3FFC];
	_ =	sdelay $0x3  }
0x12: {  	_ =	strace s3  }
0x13: {  	s3 =	sld [smem:$0x3FFD];
	_ =	sdelay $0x3  }
0x14: {  	_ =	strace s3  }
0x15: {  	_ =	strace $0x8FFFFFFF  }
0x16: {  	s19 =	sld [smem:$0x3FDB];
	_ =	sdelay $0x1  }
0x17: {  	s20 =	simm.s32 $_scs_section_size  }
0x18: {  	s5 =	simm.s32 $_size__tile_overlayer_lowered;
	s6 =	simm.s32 $_tile_overlayer_lowered  }
0x19: {  	s23 =	simm.s32 $0x1BFF;
	s22 =	sshll.u32 s6, $0x1;
	s3 =	sadd.s32 s20, s19  }
0x1a: {  	s7 =	simm.s32 $0x0;
	s21 =	sshll.u32 s5, $0x1;
	s5 =	sadd.s32 s22, s3  }
0x1b: {  	[timem:s7], [sflag:s23] =	dma.local [hbm:s5], s21  }
0x1c: {  	_ =	swait.ge [sflag:s23], s21  }
0x1d: {  	s4 =	ssub.s32 $0x0, s21;
	[sflag:s23] =	ssyncset.done $0x0  }
0x1e: {  	[sflag:s23] =	ssyncadd.s32 s4;
	_ =	sdelay $0x1  }
0x1f: {  	s24 =	simm.s32 $0x1B8B  }
0x20: {  	_ =	swait.ge [sflag:s24], $0x1  }
0x21: {  	[sflag:s24] =	ssyncset.done $0x0  }
0x22: {  	s26 =	simm.s32 $0x1B8E;
	s25 =	sld [smem:$0x3FFE];
	[sflag:s24] =	ssyncadd.s32 $0xFFFFFFFF  }
0x23: {  	s27 =	simm.s32 $execute0_lowered;
	[smem:$0x3FD2] =	sst s26  }
0x24: {  	s5 =	sshll.u32 s27, $0x1;
	_ =	strace $0x80000049;
	[dreg:$0x1] =	wrdreg $0xFFFFFFFF  }
0x25: {  	s28 =	simm.s32 $_size_execute0_lowered;
	s3 =	sadd.s32 s3, s5;
	[dreg:$0x0] =	wrdreg $0x0  }
0x26: {  	s5 =	sshll.u32 s28, $0x1;
	[dreg:$0x2] =	wrdreg s3  }
0x27: {  	[dreg:$0x3] =	wrdreg s5  }
0x28: {  	[dreg:$0x4] =	wrdreg $0xC0  }
0x29: {  	_ =	task [dreg:s7], $0x5FFFF  }
0x2a: {  	[dreg:$0x1] =	wrdreg $0xFFFFFFFF  }
0x2b: {  	[dreg:$0x0] =	wrdreg $0x60  }
0x2c: {  	[dreg:$0x2] =	wrdreg s25  }
0x2d: {  	[dreg:$0x3] =	wrdreg s17  }
0x2e: {  	[dreg:$0x4] =	wrdreg $0x9  }
0x2f: {  	_ =	task.clear_ibuf [dreg:s7], $0x5FFFF;
	_ =	strace $0x90000049  }
0x30: {  	s29 =	simm.s32 $0x9;
	_ =	strace $0x8000004B  }
0x31: {  	_ =	swait.ge [sflag:s29], $0x1  }
0x32: {  	[sflag:s29] =	ssyncadd.s32 $0xFFFFFFFF  }
0x33: {  	_ =	strace $0x9000004B  }
0x34: {  	_ =	sfence  }
0x35: {  	s30 =	sld [smem:$0x0];
	_ =	sdelay $0x2  }
0x36: {  	s31 =	sshll.u32 s1, $0xD;
	s1 =	sshrl.u32 s1, $0x2  }
0x37: {  	s3 =	sand.u32 $0x4000, s31;
	s1 =	sadd.s32 s1, s30  }
0x38: {  	s0 =	sor.u32 s3, s0;
	s1 =	sshll.u32 s1, $0x11  }
0x39: {  	s0 =	sor.u32 s1, s0  }
0x3a: {  	s0 =	sadd.s32 $0x8F2B, s0  }
0x3b: {  	[sflag:s0] =	ssyncadd.remote.s32 $0x1  }
0x3c: {  	_ =	sfence.sel $0xFFFF  }
0x3d: {  	[dreg:$0x0] =	wrdreg $0xFFFFFFFF;
	(pc) =	sbr.abs _section_cstart, $3  }
0x3e: {  	[dreg:$0x1] =	wrdreg $0xFFFFFFFF  }
0x3f: {  	_ =	task.clear_ibuf [dreg:s7], $0x2FFFF;
	_ =	strace $0x9FFFFFFF  }
0x40: {  	(tm) =	ssettm $0x7FFFFFFF  }
0x41: {  	_ =	shalt  }
tec
execute0_lowered:
.L_overlay_start_1:
0x0: {  	(tag) =	ssettag $0x1  }
0x1: {  	s0 =	stileid.u32  }
0x2: {  	s1 =	srdreg.scid;
	s7 =	rddreg [dreg:$0x0]  }
0x3: {  	s2 =	rddreg [dreg:$0x1];
	s31 =	simm.s32 $0x2;
	s14 =	simm.s32 $0x0  }
0x4: {  	p0 =	por $0x0, $0x0;
	s3 =	sshll.u32 s0, $0x6;
	s1 =	sshll.u32 s1, $0xA  }
0x5: {  	s13 =	simm.s32 $0x0;
	s4 =	sor.u32 s3, s1;
	s3 =	sand.u32 $0x1, s0  }
0x6: {  	s12 =	simm.s32 $0x0;
	s4 =	sand.u32 $0x780, s4;
	s5 =	ssub.s32 $0x2, s3  }
0x7: {  	s7 =	sadd.s32 $0x6F1400, s7;
	s6 =	ssub.s32 $0xF4200, s4;
	s8 =	sshrl.u32 s5, $0x1  }
.Ltmp0:
0x8: {  	s9 =	sand.u32 $0x1, s5;
	s6 =	sshrl.u32 s6, $0xB;
	(pc) =	sbr.rel .LBB1_1-.Ltmp0, $4  }
0x9: {  	s1 =	rddreg [dreg:$0x2];
	s8 =	sadd.s32 s9, s8;
	s6 =	sadd.s32 $0x1, s6  }
0xa: {  	_ =	strace $0x8000004A;
	s5 =	simm.s32 $0x1;
	s6 =	smul.u32 s8, s6  }
0xb: {  	s11 =	smov.u32 s3;
	s10 =	smov.u32 s4;
	[sflag:s5] =	ssyncpa.u1 $0x0  }
0xc: {  	s9 =	simm.s32 $0x7A1400;
	[sflag:s31] =	ssyncpa.u1 $0x0;
	s8 =	sadd.s32 $0x1, s6  }
.LBB1_4:
0xd: {  	s17 =	sshll.u32 s14, $0x3  }
0xe: {  	s29 =	sand.u32 $0x7F, s14;
	s17 =	sand.u32 $0xFFFFFC00, s17  }
0xf: {  	s14 =	sor.u32 s29, s17  }
0x10: {  	s18 =	smulhi.u32 $0x218D6287, s14  }
0x11: {  	s17 =	smulhi.u32 $0x218D6287, s17  }
0x12: {  	s18 =	sshrl.u32 s18, $0x11  }
0x13: {  	s17 =	sshrl.u32 s17, $0x11;
	s18 =	smul.u32 $0xF4280, s18  }
0x14: {  	[tilespmem:s15+$0xFFFFFFFC ss:$0x81] =	vst.msk $0xffff, v4;
	s13 =	smul.u32 $0x1E8500, s13;
	s17 =	sand.u32 $0xF, s17  }
0x15: {  	[tilespmem:s15+$0xFFFFFFFD ss:$0x81] =	vst.msk $0xffff, v2;
	s17 =	smul.u32 $0x1E850, s17;
	s14 =	ssub.s32 s14, s18  }
0x16: {  	[tilespmem:s15+$0xFFFFFFFE ss:$0x81] =	vst.msk $0xffff, v0;
	s13 =	sadd.s32 s2, s13;
	s18 =	sand.u32 $0x7, s14  }
0x17: {  	[tilespmem:s15+$0xFFFFFFFF ss:$0x81] =	vst.msk $0xffff, v3;
	s13 =	sadd.s32 s17, s13;
	s14 =	sshrl.u32 s14, $0x3;
	s30 =	sshll.u32 s18, $0x12  }
0x18: {  	[tilespmem:s15+$0xFFFFFFF9 ss:$0x81] =	vst.msk $0xffff, v1;
	s13 =	sadd.s32 s14, s13;
	s31 =	sor.u32 $0x400, s30  }
0x19: {  	[hbm4b:s13+s31] =	stream.strided.scatter [tilespmem:s16], [sflag:$0x2], $0x800, s9, s31, $0x20;
	[tilespmem:$0x2020] =	vst v63  }
.LBB1_5:
0x1a: {  	s15 =	sadd.s32 $0x800, s10  }
0x1b: {  	s13 =	sadd.s32 $0x2, s11;
	s17 =	smov.u32 s11;
	p2 =	sgt.s32 s15, $0xF423F  }
0x1c: {  	s17 =	smov.u32 @p2 s13  }
0x1d: {  	s15 =	smov.u32 @p2 s4;
	p2 =	sgt.s32 s17, $0x1  }
0x1e: {  	s17 =	smov.u32 @p2 s3;
	p2 =	sne.s32 s12, s8  }
.Ltmp1:
0x1f: {  	p1 =	slt.u32 s12, $0x2;
	(pc) =	sbr.rel @!p2 .LBB1_6-.Ltmp1, $4  }
0x20: {  	s16 =	simm.s32 @!p1 $0x2  }
0x21: {  	s14 =	smov.u32 s10;
	p0 =	por !p0, !p0;
	_ =	swait.ge @!p1 [sflag:s16], $0x800  }
0x22: {  	s13 =	smov.u32 s11;
	[sflag:s16] =	ssyncset.done @!p1 $0x0;
	s10 =	smov.u32 s15  }
0x23: {  	s12 =	sadd.s32 $0x1, s12;
	[sflag:s16] =	ssyncadd.s32 @!p1 $0xFFFFF800;
	s11 =	smov.u32 s17  }
.LBB1_1:
0x24: {  	p1 =	sge.u32 s12, s6  }
0x25: {  	s17 =	smov.u32 s11;
	p2 =	sgt.s32 @!p1 s11, $0x1  }
0x26: {  	s19 =	smov.u32 s10;
	s15 =	sand.u32 @!p1 $0x1FFFFFF, s10;
	p2 =	por !p2, p1  }
0x27: {  	s18 =	sshra.s32 @!p1 s11, $0x1F;
	s17 =	simm.s32 @p2 $0x1;
	p2 =	sgt.s32 @!p1 s10, $0xF41C0  }
0x28: {  	s20 =	sshra.s32 @!p1 s10, $0x1F;
	s18 =	sand.u32 @!p1 s18, s11;
	p2 =	por !p2, p1  }
0x29: {  	s20 =	sand.u32 @!p1 s20, s10;
	s18 =	sxor.u32 @!p1 $0xFFFFFFFF, s18;
	s19 =	simm.s32 @p2 $0xF41C0  }
0x2a: {  	s16 =	smulhi.u32 @!p1 $0x218DEF5, s15;
	s17 =	sadd.s32 @!p1 s18, s17;
	s18 =	ssub.s32 @!p1 s19, s20  }
0x2b: {  	p2 =	sgt.s32 @!p1 s17, $0x0;
	s17 =	sshll.u32 @!p1 s17, $0x4;
	s19 =	sadd.s32 @!p1 $0xFFF0BE40, s18  }
0x2c: {  	s16 =	sshrl.u32 @!p1 s16, $0xD;
	s17 =	ssub.s32 @!p1 $0x10, s17;
	p3 =	sgt.s32 @!p1 s19, $0x7F  }
0x2d: {  	p2 =	por !p2, p1;
	s18 =	ssub.s32 @!p1 $0xF4240, s18;
	p3 =	por !p3, p1  }
0x2e: {  	s16 =	smul.u32 @!p1 $0xF4240, s16;
	s17 =	simm.s32 @!p2 $0x0;
	s18 =	simm.s32 @!p3 $0x0  }
0x2f: {  	s19 =	sxor.u32 @!p1 $0xFFFFFFFF, s12;
	s17 =	smul.u32 @!p1 s18, s17  }
0x30: {  	s15 =	ssub.s32 @!p1 s15, s16;
	s18 =	sshll.u32 @!p1 s19, $0xB;
	s19 =	smul.u32 @!p1 $0xF42400, s11  }
0x31: {  	s31 =	sadd.s32 $0xFFFFFFFF, s12;
	s15 =	sshll.u32 @!p1 s15, $0x4  }
0x32: {  	s18 =	sand.u32 @!p1 $0x800, s18;
	s16 =	sand.u32 @!p1 $0x3FFFFFF0, s17;
	s17 =	sadd.s32 @!p1 s7, s19  }
0x33: {  	s19 =	simm.s32 @!p1 $0x80;
	s15 =	sadd.s32 @!p1 s15, s17;
	s17 =	simm.s32 @!p1 $0x10  }
0x34: {  	[tilespmem:s18], [sflag:$0x1] =	stream.strided.gather @!p1 [hbm4b:s15+s17], s16, s19, s17, $0x38;
	[tilespmem:$0x2020] =	vst v63  }
0x35: {  	p1 =	sge.u32 s31, s6  }
.Ltmp2:
0x36: {  	_ = 	snop;
	(pc) =	sbr.rel @p1 .LBB1_5-.Ltmp2, $1  }
0x37: {  	_ =	sdelay $0x3  }
0x38: {  	p1 =	sgt.s32 s13, $0x1;
	s15 =	smov.u32 s13  }
0x39: {  	s16 =	sshra.s32 s13, $0x1F;
	s17 =	smov.u32 s14;
	s18 =	sshra.s32 s14, $0x1F  }
0x3a: {  	s15 =	simm.s32 @!p1 $0x1;
	s16 =	sand.u32 s16, s13;
	p1 =	sgt.s32 s14, $0xF41C0  }
0x3b: {  	s18 =	sand.u32 s18, s14;
	s16 =	sxor.u32 $0xFFFFFFFF, s16;
	s17 =	simm.s32 @!p1 $0xF41C0  }
0x3c: {  	s15 =	sadd.s32 s16, s15;
	s27 =	ssub.s32 s17, s18  }
0x3d: {  	p1 =	sgt.s32 s15, $0x0;
	s17 =	sadd.s32 $0xFFF0BE40, s27;
	s15 =	sshll.u32 s15, $0x4  }
0x3e: {  	s16 =	ssub.s32 $0xF4240, s27;
	p2 =	sgt.s32 s17, $0x7F;
	s15 =	ssub.s32 $0x10, s15  }
0x3f: {  	s16 =	simm.s32 @p2 $0x0;
	s15 =	simm.s32 @p1 $0x0  }
0x40: {  	s15 =	smul.u32 s16, s15;
	_ =	sdelay $0x1  }
0x41: {  	s16 =	simm.s32 $0x1;
	s15 =	sand.u32 $0x3FFFFFF0, s15  }
0x42: {  	s16 =	simm.s32 @!p0 $0x0;
	_ =	swait.ge [sflag:s5], s15  }
0x43: {  	s28 =	sshll.u32 s16, $0xB;
	s15 =	ssub.s32 $0x0, s15;
	[sflag:s5] =	ssyncset.done $0x0  }
0x44: {  	s29 =	sor.u32 $0x40, s28;
	[sflag:s5] =	ssyncadd.s32 s15  }
0x45: {  	v1 =	vld [tilespmem:s29+$0x30]  }
0x46: {  	s30 =	smul.u32 $0x2040, s16;
	v3 =	vld [tilespmem:s29+$0xFFFFFFD0]  }
0x47: {  	v5 =	vld [tilespmem:s29+$0xFFFFFFE0]  }
0x48: {  	s31 =	sand.u32 $0x1, s12;
	s15 =	sshrl.u32 s30, $0x2;
	v4 =	vld [tilespmem:s29+$0xFFFFFFF0]  }
0x49: {  	s16 =	smul.u32 $0x2040, s31;
	s15 =	sor.u32 $0x1007, s15;
	v2 =	vld [tilespmem:s29+$0x0]  }
0x4a: {  	v0 =	vld [tilespmem:s29+$0x10];
	[tilespmem:s15+$0x0 ss:$0x81] =	vst.msk $0xffff, v1  }
0x4b: {  	s16 =	sshrl.u32 s16, $0x2;
	[tilespmem:s15+$0xFFFFFFFA ss:$0x81] =	vst.msk $0xffff, v3;
	v3 =	vld [tilespmem:s29+$0x20]  }
0x4c: {  	s17 =	simm.s32 $0x0;
	s18 =	sadd.s32 $0x80, s29;
	s16 =	sor.u32 $0x1000, s16;
	v1 =	vld [tilespmem:s29+$0xFFFFFFC0];
	[tilespmem:s15+$0xFFFFFFFB ss:$0x81] =	vst.msk $0xffff, v5  }
.LBB1_3:
0x4d: {  	v5 =	vld [tilespmem:s18+$0x30];
	s17 =	sadd.s32 $0x8, s17;
	[tilespmem:s15+$0xFFFFFFFC ss:$0x81] =	vst.msk $0xffff, v4  }
0x4e: {  	v6 =	vld [tilespmem:s18+$0xFFFFFFD0];
	p1 =	slt.u32 s17, $0x78;
	[tilespmem:s15+$0xFFFFFFFD ss:$0x81] =	vst.msk $0xffff, v2  }
0x4f: {  	v7 =	vld [tilespmem:s18+$0xFFFFFFE0];
	[tilespmem:s15+$0xFFFFFFFE ss:$0x81] =	vst.msk $0xffff, v0  }
.Ltmp3:
0x50: {  	v4 =	vld [tilespmem:s18+$0xFFFFFFF0];
	[tilespmem:s15+$0xFFFFFFFF ss:$0x81] =	vst.msk $0xffff, v3;
	(pc) =	sbr.rel @p1 .LBB1_3-.Ltmp3, $4  }
0x51: {  	v2 =	vld [tilespmem:s18+$0x0];
	[tilespmem:s15+$0xFFFFFFF9 ss:$0x81] =	vst.msk $0xffff, v1;
	s15 =	sadd.s32 $0x8, s15  }
0x52: {  	v0 =	vld [tilespmem:s18+$0x10];
	[tilespmem:s15+$0x0 ss:$0x81] =	vst.msk $0xffff, v5  }
0x53: {  	[tilespmem:s15+$0xFFFFFFFA ss:$0x81] =	vst.msk $0xffff, v6;
	v3 =	vld [tilespmem:s18+$0x20]  }
0x54: {  	v1 =	vld [tilespmem:s18+$0xFFFFFFC0];
	[tilespmem:s15+$0xFFFFFFFB ss:$0x81] =	vst.msk $0xffff, v7;
	s18 =	sadd.s32 $0x80, s18  }
.Ltmp4:
0x55: {  	_ = 	snop;
	(pc) =	sbr.rel .LBB1_4-.Ltmp4, $1  }
0x56: {  	_ =	sdelay $0x3  }
.LBB1_6:
0x57: {  	_ =	sfence.sel $0x180000  }
0x58: {  	s2 =	simm.s32 $0x1;
	[bflag:$0x0] =	sbarrier.arrive $0xFFFF  }
0x59: {  	s31 =	simm.s32 $0x2;
	[sflag:s2] =	ssyncpa.u1 $0x1  }
0x5a: {  	[sflag:s31] =	ssyncpa.u1 $0x1  }
0x5b: {  	p0 =	sne.s32 s0, $0x0;
	_ =	strace $0x9000004A  }
0x5c: {  	s0 =	sadd.s32 @!p0 $0x100000, s1;
	[bflag:$0x2] =	sbarrier.arrive $0xFFFF  }
0x5d: {  	[sflag:s0] =	ssyncadd.tile.s32 @!p0 $0x1;
	_ =	shalt  }
.Lfunc_end1:
_tile_overlayer_lowered:
.L_overlay_start_2:
0x5e: {  	(tag) =	ssettag $0x2  }
0x5f: {  	s0 =	rddreg [dreg:$0x0];
	s2 =	stileid.u32  }
0x60: {  	s1 =	rddreg [dreg:$0x1];
	p0 =	sne.s32 s2, $0x0  }
0x61: {  	s3 =	rddreg [dreg:$0x2];
	[bflag:$0x3] =	sbarrier.arrive $0xFFFF;
	s2 =	simm.s32 @!p0 $0x1C01  }
0x62: {  	[timem:s3], [sflag:s2] =	dma.local @!p0 [hbm:s0], s1  }
0x63: {  	s0 =	simm.s32 @!p0 $0x1  }
0x64: {  	_ =	swait.ge @!p0 [sflag:s0], s1  }
0x65: {  	s1 =	ssub.s32 @!p0 $0x0, s1;
	[sflag:s0] =	ssyncset.done @!p0 $0x0  }
0x66: {  	[sflag:s0] =	ssyncadd.s32 @!p0 s1  }
0x67: {  	[bflag:$0x3] =	sbarrier.arrive $0xFFFF  }
0x68: {  	_ =	shalt  }

</sc_bundles>
